<compile_context>
chip_gen: v7x
topology: tpu7x:2x2x1
jax: 0.10.2.dev20260603
libtpu: 0.0.44.dev20260713+nightly
codegen_flags: <defaults>
</compile_context>

<pallas_src>
import functools

import jax
import jax.numpy as jnp
from jax import lax
from jax.experimental import pallas as pl
from jax.experimental.pallas import tpu as pltpu
from jax.experimental.pallas import tpu_sc as plsc

_B, _N, _C, _H = 8, 1025, 192, 12
_HD = _C // _H
_DR = 0.1
_THR = int((_N - 1) * _DR)
_KEEP = (_N - 1) - _THR - 1
_NEW_N = _KEEP + 1
_NP = 928
_NR = _N - 1
_GT = 8192
_CP = 256


def _layernorm(x, g, b):
    mu = jnp.mean(x, axis=-1, keepdims=True)
    var = jnp.mean(jnp.square(x - mu), axis=-1, keepdims=True)
    return (x - mu) * jax.lax.rsqrt(var + 1e-5) * g + b


def _select_kernel(x0_ref, xr_ref, Wqkv_ref, gi_ref):
    f32 = jnp.float32
    b = pl.program_id(0)
    x0 = x0_ref[0]
    xr = xr_ref[0]
    Wq = Wqkv_ref[0:_C]
    Wk = Wqkv_ref[_C:2 * _C]

    q0 = jax.lax.dot_general(x0, Wq, (((1,), (1,)), ((), ())))
    kk = jax.lax.dot_general(xr, Wk, (((1,), (1,)), ((), ())))
    s_row = jax.lax.dot_general(q0, kk, (((1,), (1,)), ((), ())))
    s_col = jnp.transpose(s_row, (1, 0))

    ii = jax.lax.broadcasted_iota(jnp.int32, (_NR, _NR), 0)
    jj = jax.lax.broadcasted_iota(jnp.int32, (_NR, _NR), 1)
    cmp = jnp.where(s_col < s_row, 1.0,
                    jnp.where((s_col == s_row) & (ii < jj), 1.0, 0.0))
    rank_row = jnp.sum(cmp, axis=0, keepdims=True)
    mask_row = (rank_row > float(_THR)).astype(f32)

    ut = (ii <= jj).astype(f32)
    c_row = jnp.dot(mask_row, ut)

    r_iota = jax.lax.broadcasted_iota(jnp.int32, (_NP, 1), 0).astype(f32)
    onehot = jnp.where((c_row == r_iota) & (mask_row > 0.5), 1.0, 0.0)
    pos = jax.lax.broadcasted_iota(jnp.int32, (_NR, 1), 0).astype(f32)
    gi = jnp.dot(onehot, pos)
    gi = gi.astype(jnp.int32) + b * _NR
    gi_ref[0] = gi


def _make_sc_gather():
    info = plsc.get_sparse_core_info()
    nc, ns = info.num_cores, info.num_subcores
    nw = nc * ns
    rows_per_w = _GT // nw
    mesh = plsc.VectorSubcoreMesh(core_axis_name="c", subcore_axis_name="s")

    @functools.partial(
        pl.kernel, mesh=mesh,
        out_type=jax.ShapeDtypeStruct((_GT, _CP), jnp.float32),
        scratch_types=[
            pltpu.VMEM((rows_per_w,), jnp.int32),
            pltpu.VMEM((rows_per_w, _CP), jnp.float32),
            pltpu.SemaphoreType.DMA,
        ],
    )
    def gather_k(table_hbm, idx_hbm, out_hbm, idx_v, rows_v, sem):
        wid = lax.axis_index("s") * nc + lax.axis_index("c")
        base = wid * rows_per_w
        pltpu.sync_copy(idx_hbm.at[pl.ds(base, rows_per_w)], idx_v)
        pltpu.async_copy(table_hbm.at[idx_v], rows_v, sem).wait()
        pltpu.sync_copy(rows_v, out_hbm.at[pl.ds(base, rows_per_w)])

    return gather_k


def _block_kernel(kept_ref, x0_ref, Wqkv_ref, Wproj_ref, bproj_ref,
                  g1_ref, b1_ref, g2_ref, b2_ref,
                  Wfc1_ref, bfc1_ref, Wfc2_ref, bfc2_ref, out_ref):
    f32 = jnp.float32
    x0 = x0_ref[0]
    kept = kept_ref[0]
    Wqkv = Wqkv_ref[...]

    r_iota = jax.lax.broadcasted_iota(jnp.int32, (_NP, 1), 0)
    valid = ((r_iota > 0) & (r_iota < _NEW_N)).astype(f32)
    is_row0 = (r_iota == 0).astype(f32)
    xo = (kept * valid + is_row0 * x0) * (1.0 / (1.0 - _DR))

    n1 = _layernorm(xo, g1_ref[...], b1_ref[...])
    qkv = jax.lax.dot_general(n1, Wqkv, (((1,), (1,)), ((), ())))
    scale = float(_HD) ** -0.5
    rowmask = (jax.lax.broadcasted_iota(jnp.int32, (_NP, 1), 0)
               < _NEW_N).astype(f32)
    o_parts = []
    for h in range(_H):
        qh = qkv[:, h * _HD:(h + 1) * _HD] * scale
        kh = qkv[:, _C + h * _HD:_C + (h + 1) * _HD]
        vh = qkv[:, 2 * _C + h * _HD:2 * _C + (h + 1) * _HD]
        s = jax.lax.dot_general(qh, kh, (((1,), (1,)), ((), ())))
        p = jnp.exp(s).astype(jnp.bfloat16)
        vhe = jnp.concatenate([vh * rowmask, rowmask], axis=1)
        ove = jax.lax.dot_general(p, vhe.astype(jnp.bfloat16),
                                  (((1,), (0,)), ((), ())),
                                  preferred_element_type=f32)
        o_parts.append(ove[:, :_HD] / ove[:, _HD:_HD + 1])
    o = jnp.concatenate(o_parts, axis=1)
    o = jax.lax.dot_general(o, Wproj_ref[...], (((1,), (1,)), ((), ())))
    o = o + bproj_ref[...]
    x1 = xo + o

    n2 = _layernorm(x1, g2_ref[...], b2_ref[...])
    h1 = jax.lax.dot_general(n2, Wfc1_ref[...], (((1,), (1,)), ((), ())))
    h1 = h1 + bfc1_ref[...]
    gel = 0.5 * h1 * (1.0 + jax.lax.erf(h1 * (2.0 ** -0.5)))
    mlp = jax.lax.dot_general(gel, Wfc2_ref[...], (((1,), (1,)), ((), ())))
    mlp = mlp + bfc2_ref[...]
    out_ref[0] = (x1 + mlp)[:_NEW_N]


def kernel(x, W_qkv, W_proj, b_proj, g1, b1, g2, b2, W_fc1, b_fc1, W_fc2, b_fc2):
    f32 = jnp.float32
    x0 = x[:, :1, :]
    xr = x[:, 1:, :]
    row = lambda v: v.reshape(1, -1)
    full = lambda shp: pl.BlockSpec(shp, lambda b: (0, 0))

    gi = pl.pallas_call(
        _select_kernel,
        grid=(_B,),
        in_specs=[
            pl.BlockSpec((1, 1, _C), lambda b: (b, 0, 0)),
            pl.BlockSpec((1, _NR, _C), lambda b: (b, 0, 0)),
            full((3 * _C, _C)),
        ],
        out_specs=pl.BlockSpec((1, _NP, 1), lambda b: (b, 0, 0)),
        out_shape=jax.ShapeDtypeStruct((_B, _NP, 1), jnp.int32),
        compiler_params=pltpu.CompilerParams(
            dimension_semantics=("arbitrary",),
        ),
    )(x0, xr, W_qkv)

    gi_flat = gi.reshape(_B * _NP)
    gi_flat = jnp.concatenate(
        [gi_flat, jnp.zeros((_GT - _B * _NP,), jnp.int32)])
    table = jnp.pad(xr.reshape(_B * _NR, _C), ((0, 0), (0, _CP - _C)))
    kept_flat = _make_sc_gather()(table, gi_flat)
    kept = kept_flat[:_B * _NP, :_C].reshape(_B, _NP, _C)

    out = pl.pallas_call(
        _block_kernel,
        grid=(_B,),
        in_specs=[
            pl.BlockSpec((1, _NP, _C), lambda b: (b, 0, 0)),
            pl.BlockSpec((1, 1, _C), lambda b: (b, 0, 0)),
            full((3 * _C, _C)),
            full((_C, _C)),
            full((1, _C)),
            full((1, _C)), full((1, _C)), full((1, _C)), full((1, _C)),
            full((4 * _C, _C)),
            full((1, 4 * _C)),
            full((_C, 4 * _C)),
            full((1, _C)),
        ],
        out_specs=pl.BlockSpec((1, _NEW_N, _C), lambda b: (b, 0, 0)),
        out_shape=jax.ShapeDtypeStruct((_B, _NEW_N, _C), f32),
        compiler_params=pltpu.CompilerParams(
            dimension_semantics=("arbitrary",),
        ),
    )(kept, x0, W_qkv, W_proj, row(b_proj), row(g1), row(b1), row(g2), row(b2),
      W_fc1, row(b_fc1), W_fc2, row(b_fc2))
    return out

# --- scband reference (transcript-rebuilt; emitter-appended) ---
"""Pipeline reference for scband-my-block-20418274525894 (READ-ONLY COPY).

The authoritative reference and input builder live on the scoring server;
editing this copy changes nothing except your own understanding.
"""

import jax, jax.numpy as jnp
import numpy as np

B, N, C, H = 8, 1025, 192, 12
HD = C // H
DR = 0.1
THR = int((N - 1) * DR)            # 102
KEEP = (N - 1) - THR - 1           # 921 tokens with rank > THR
NEW_N = KEEP + 1                   # +1 for cls token


def setup_inputs(seed: int = 0) -> dict:
    key = jax.random.key(seed)
    ks = jax.random.split(key, 6)
    x = jax.random.normal(ks[0], (B, N, C), dtype=jnp.float32)
    W_qkv = jax.random.normal(ks[1], (3 * C, C), dtype=jnp.float32) * 0.02
    W_proj = jax.random.normal(ks[2], (C, C), dtype=jnp.float32) * 0.02
    b_proj = jnp.zeros((C,), dtype=jnp.float32)
    g1 = jnp.ones((C,), dtype=jnp.float32)
    b1 = jnp.zeros((C,), dtype=jnp.float32)
    g2 = jnp.ones((C,), dtype=jnp.float32)
    b2 = jnp.zeros((C,), dtype=jnp.float32)
    W_fc1 = jax.random.normal(ks[3], (4 * C, C), dtype=jnp.float32) * 0.02
    b_fc1 = jnp.zeros((4 * C,), dtype=jnp.float32)
    W_fc2 = jax.random.normal(ks[4], (C, 4 * C), dtype=jnp.float32) * 0.02
    b_fc2 = jnp.zeros((C,), dtype=jnp.float32)
    return {"x": x, "W_qkv": W_qkv, "W_proj": W_proj, "b_proj": b_proj,
            "g1": g1, "b1": b1, "g2": g2, "b2": b2,
            "W_fc1": W_fc1, "b_fc1": b_fc1, "W_fc2": W_fc2, "b_fc2": b_fc2}


def _layernorm(x, g, b):
    mu = jnp.mean(x, axis=-1, keepdims=True)
    var = jnp.mean(jnp.square(x - mu), axis=-1, keepdims=True)
    return (x - mu) / jnp.sqrt(var + 1e-5) * g + b


def reference(x, W_qkv, W_proj, b_proj, g1, b1, g2, b2, W_fc1, b_fc1, W_fc2, b_fc2):
    # ---- drop_low_attn (use_attn_mask=True branch, scale=True) ----
    qkv = (x @ W_qkv.T).reshape(B, N, 3, H, HD).transpose(2, 0, 3, 1, 4)
    q, k = qkv[0], qkv[1]
    attn = q @ jnp.swapaxes(k, -2, -1)            # [B, H, N, N], no scale here
    mean_cls_attn = jnp.mean(attn, axis=1)        # [B, N, N]
    scores = mean_cls_attn[:, 0, 1:]              # cls attn to other tokens [B, N-1]
    ranks = jnp.argsort(jnp.argsort(scores, axis=1), axis=1)
    mask = ranks > THR                            # keep exactly KEEP tokens per row
    pos = jnp.arange(N - 1)
    keys = jnp.where(mask, pos, pos + N)          # kept tokens first, original order
    idx = jnp.argsort(keys, axis=1)[:, :KEEP]     # [B, KEEP]
    kept = jnp.take_along_axis(x[:, 1:, :], idx[:, :, None], axis=1)
    xo = jnp.concatenate([x[:, :1, :], kept], axis=1) / (1.0 - DR)  # [B, NEW_N, C]

    # ---- x = x + attn(norm1(x)) ----
    n1 = _layernorm(xo, g1, b1)
    qkv2 = (n1 @ W_qkv.T).reshape(B, NEW_N, 3, H, HD).transpose(2, 0, 3, 1, 4)
    q2, k2, v2 = qkv2[0], qkv2[1], qkv2[2]
    scale = HD ** (-0.5)
    a = jax.nn.softmax((q2 @ jnp.swapaxes(k2, -2, -1)) * scale, axis=-1)
    o = jnp.swapaxes(a @ v2, 1, 2).reshape(B, NEW_N, C)
    o = o @ W_proj.T + b_proj
    x1 = xo + o

    # ---- x = x + mlp(norm2(x)) ----
    n2 = _layernorm(x1, g2, b2)
    h = jax.nn.gelu(n2 @ W_fc1.T + b_fc1, approximate=False)
    m = h @ W_fc2.T + b_fc2
    return x1 + m


if False:  # reference __main__ guard neutralized (emitter)
    out = reference(**setup_inputs())
    print(out.shape)

if __name__ == "__main__":
    import jax
    _d = setup_inputs()
    print(jax.jit(kernel)(*tuple(_d.values())))

</pallas_src>

<mosaic_0001>
#map = affine_map<(d0, d1) -> (0, 0)>
#map1 = affine_map<(d0, d1) -> (0)>
module attributes {stable_mosaic.version = 14 : i64} {
  func.func @gather_k(%arg0: i32, %arg1: i32, %arg2: memref<8192x256xf32, #tpu.memory_space<hbm>>, %arg3: memref<8192xi32, #tpu.memory_space<hbm>>, %arg4: memref<8192x256xf32, #tpu.memory_space<hbm>>, %arg5: memref<256xi32, #tpu.memory_space<vmem>>, %arg6: memref<256x256xf32, #tpu.memory_space<vmem>>, %arg7: memref<!tpu.dma_semaphore, #tpu.memory_space<semaphore_mem>>) attributes {dimension_semantics = [#tpu.dimension_semantics<core_parallel>, #tpu.dimension_semantics<subcore_parallel>], iteration_bounds = array<i64: 2, 16>, scalar_prefetch = 0 : i64, scratch_operands = 3 : i64, tpu.core_type = #tpu.core_type<sc_vector_subcore>, window_params = [{transform_indices = #map}, {transform_indices = #map1}, {transform_indices = #map}]} {
    %mul3A = arith.constant 2 : i32
    %mul3A_0 = arith.muli %arg1, %mul3A : i32
    %add3A = arith.addi %mul3A_0, %arg0 : i32
    %mul3A_1 = arith.constant 256 : i32
    %mul3A_2 = arith.muli %add3A, %mul3A_1 : i32
    "tpu.region"() ({
      %run_scoped3A = tpu.sem_alloc : memref<!tpu.dma_semaphore, #tpu.memory_space<semaphore_mem>>
      %dma_start3A_7 = tpu.memref_slice %arg3[%mul3A_2] : memref<8192xi32, #tpu.memory_space<hbm>> -> memref<256xi32, #tpu.memory_space<hbm>>
      %dma_start3A_8 = tpu.memref_slice %arg3[%mul3A_2] : memref<8192xi32, #tpu.memory_space<hbm>> -> memref<256xi32, #tpu.memory_space<hbm>>
      tpu.enqueue_dma source(%dma_start3A_8 : memref<256xi32, #tpu.memory_space<hbm>>) target(%arg5 : memref<256xi32, #tpu.memory_space<vmem>>) target_semaphore(%run_scoped3A : memref<!tpu.dma_semaphore, #tpu.memory_space<semaphore_mem>>)
      %dma_wait3A_9 = tpu.memref_slice %arg3[%mul3A_2] : memref<8192xi32, #tpu.memory_space<hbm>> -> memref<256xi32, #tpu.memory_space<hbm>>
      %dma_wait3A_10 = tpu.memref_slice %arg3[%mul3A_2] : memref<8192xi32, #tpu.memory_space<hbm>> -> memref<256xi32, #tpu.memory_space<hbm>>
      tpu.wait_dma2 semaphore(%run_scoped3A : memref<!tpu.dma_semaphore, #tpu.memory_space<semaphore_mem>>) src(%dma_wait3A_10 : memref<256xi32, #tpu.memory_space<hbm>>) dst(%arg5 : memref<256xi32, #tpu.memory_space<vmem>>)
      tpu.yield
    }) : () -> ()
    %dma_start3A = arith.constant 0 : i32
    %dma_start3A_3 = arith.constant 0 : i32
    %dma_start3A_4 = tpu.memref_slice %arg2[%dma_start3A, %dma_start3A_3] : memref<8192x256xf32, #tpu.memory_space<hbm>> -> memref<8192x256xf32, #tpu.memory_space<hbm>>
    tpu.enqueue_indirect_dma source(%dma_start3A_4 : memref<8192x256xf32, #tpu.memory_space<hbm>>) target(%arg6 : memref<256x256xf32, #tpu.memory_space<vmem>>) offsets(%arg5 : memref<256xi32, #tpu.memory_space<vmem>>) semaphore(%arg7 : memref<!tpu.dma_semaphore, #tpu.memory_space<semaphore_mem>>)
    %dma_wait3A = arith.constant 0 : i32
    %dma_wait3A_5 = arith.constant 0 : i32
    %dma_wait3A_6 = tpu.memref_slice %arg2[%dma_wait3A, %dma_wait3A_5] : memref<8192x256xf32, #tpu.memory_space<hbm>> -> memref<8192x256xf32, #tpu.memory_space<hbm>>
    tpu.wait_indirect_dma semaphore(%arg7 : memref<!tpu.dma_semaphore, #tpu.memory_space<semaphore_mem>>) src(%dma_wait3A_6 : memref<8192x256xf32, #tpu.memory_space<hbm>>) dst(%arg6 : memref<256x256xf32, #tpu.memory_space<vmem>>)
    "tpu.region"() ({
      %run_scoped3A = tpu.sem_alloc : memref<!tpu.dma_semaphore, #tpu.memory_space<semaphore_mem>>
      %dma_start3A_7 = arith.constant 0 : i32
      %dma_start3A_8 = tpu.memref_slice %arg4[%mul3A_2, %dma_start3A_7] : memref<8192x256xf32, #tpu.memory_space<hbm>> -> memref<256x256xf32, #tpu.memory_space<hbm>>
      %dma_start3A_9 = arith.constant 0 : i32
      %dma_start3A_10 = tpu.memref_slice %arg4[%mul3A_2, %dma_start3A_9] : memref<8192x256xf32, #tpu.memory_space<hbm>> -> memref<256x256xf32, #tpu.memory_space<hbm>>
      tpu.enqueue_dma source(%arg6 : memref<256x256xf32, #tpu.memory_space<vmem>>) target(%dma_start3A_10 : memref<256x256xf32, #tpu.memory_space<hbm>>) target_semaphore(%run_scoped3A : memref<!tpu.dma_semaphore, #tpu.memory_space<semaphore_mem>>)
      %dma_wait3A_11 = arith.constant 0 : i32
      %dma_wait3A_12 = tpu.memref_slice %arg4[%mul3A_2, %dma_wait3A_11] : memref<8192x256xf32, #tpu.memory_space<hbm>> -> memref<256x256xf32, #tpu.memory_space<hbm>>
      %dma_wait3A_13 = arith.constant 0 : i32
      %dma_wait3A_14 = tpu.memref_slice %arg4[%mul3A_2, %dma_wait3A_13] : memref<8192x256xf32, #tpu.memory_space<hbm>> -> memref<256x256xf32, #tpu.memory_space<hbm>>
      tpu.wait_dma2 semaphore(%run_scoped3A : memref<!tpu.dma_semaphore, #tpu.memory_space<semaphore_mem>>) src(%arg6 : memref<256x256xf32, #tpu.memory_space<vmem>>) dst(%dma_wait3A_14 : memref<256x256xf32, #tpu.memory_space<hbm>>)
      tpu.yield
    }) : () -> ()
    return
  }
}

module attributes {stable_mosaic.version = 14 : i64} {
  func.func @_select_kernel(%arg0: i32, %arg1: memref<1x1x192xf32, #tpu.memory_space<vmem>>, %arg2: memref<1x1024x192xf32, #tpu.memory_space<vmem>>, %arg3: memref<576x192xf32, #tpu.memory_space<vmem>>, %arg4: memref<1x928x1xi32, #tpu.memory_space<vmem>>) attributes {dimension_semantics = [#tpu.dimension_semantics<arbitrary>], iteration_bounds = array<i64: 8>, scalar_prefetch = 0 : i64, scratch_operands = 0 : i64, tpu.core_type = #tpu.core_type<tc>, window_params = [{transform_indices = @transform_0, window_bounds = array<i64: 1, 1, 192>}, {transform_indices = @transform_1, window_bounds = array<i64: 1, 1024, 192>}, {pipeline_mode = #tpu.pipeline_mode<synchronous>, transform_indices = @transform_2, window_bounds = array<i64: 576, 192>}, {transform_indices = @transform_3, window_bounds = array<i64: 1, 928, 1>}]} {
    %get3A = arith.constant 0 : index
    %get3A_0 = arith.constant 0 : index
    %get3A_1 = arith.constant 0 : index
    %get3A_2 = vector.load %arg1[%get3A, %get3A_0, %get3A_1] : memref<1x1x192xf32, #tpu.memory_space<vmem>>, vector<1x1x192xf32>
    %get3A_3 = vector.shape_cast %get3A_2 : vector<1x1x192xf32> to vector<1x192xf32>
    %get3A_4 = arith.constant 0 : index
    %get3A_5 = arith.constant 0 : index
    %get3A_6 = arith.constant 0 : index
    %get3A_7 = vector.load %arg2[%get3A_4, %get3A_5, %get3A_6] : memref<1x1024x192xf32, #tpu.memory_space<vmem>>, vector<1x1024x192xf32>
    %get3A_8 = vector.shape_cast %get3A_7 : vector<1x1024x192xf32> to vector<1024x192xf32>
    %get3A_9 = arith.constant 0 : index
    %get3A_10 = arith.constant 0 : index
    %get3A_11 = vector.load %arg3[%get3A_9, %get3A_10] : memref<576x192xf32, #tpu.memory_space<vmem>>, vector<192x192xf32>
    %get3A_12 = arith.constant 192 : index
    %get3A_13 = arith.constant 0 : index
    %get3A_14 = vector.load %arg3[%get3A_12, %get3A_13] : memref<576x192xf32, #tpu.memory_space<vmem>>, vector<192x192xf32>
    %dot_general3A = arith.constant dense<0.000000e+00> : vector<1x192xf32>
    %dot_general3A_15 = tpu.matmul %get3A_3, %get3A_11, %dot_general3A {dimension_numbers = #tpu.dot_dimension_numbers<[1], [1], [0], [0], [0, 0, 1, 0], [], []>, transpose_lhs_hint = false} : vector<1x192xf32>, vector<192x192xf32>, vector<1x192xf32> -> vector<1x192xf32>
    %dot_general3A_16 = arith.constant dense<0.000000e+00> : vector<1024x192xf32>
    %dot_general3A_17 = tpu.matmul %get3A_8, %get3A_14, %dot_general3A_16 {dimension_numbers = #tpu.dot_dimension_numbers<[1], [1], [0], [0], [0, 0, 1, 0], [], []>, transpose_lhs_hint = false} : vector<1024x192xf32>, vector<192x192xf32>, vector<1024x192xf32> -> vector<1024x192xf32>
    %dot_general3A_18 = arith.constant dense<0.000000e+00> : vector<1x1024xf32>
    %dot_general3A_19 = tpu.matmul %dot_general3A_15, %dot_general3A_17, %dot_general3A_18 {dimension_numbers = #tpu.dot_dimension_numbers<[1], [1], [0], [0], [0, 0, 1, 0], [], []>, transpose_lhs_hint = false} : vector<1x192xf32>, vector<1024x192xf32>, vector<1x1024xf32> -> vector<1x1024xf32>
    %transpose3A = tpu.transpose %dot_general3A_19, [1, 0] : vector<1x1024xf32> -> vector<1024x1xf32>
    %iota3A = tpu.iota {dimensions = array<i32: 0>} : vector<1024x1024xi32>
    %iota3A_20 = tpu.iota {dimensions = array<i32: 1>} : vector<1024x1024xi32>
    %lt3A = vector.broadcast %transpose3A : vector<1024x1xf32> to vector<1024x1024xf32>
    %lt3A_21 = vector.broadcast %dot_general3A_19 : vector<1x1024xf32> to vector<1024x1024xf32>
    %lt3A_22 = arith.cmpf olt, %lt3A, %lt3A_21 : vector<1024x1024xf32>
    %eq3A = vector.broadcast %transpose3A : vector<1024x1xf32> to vector<1024x1024xf32>
    %eq3A_23 = vector.broadcast %dot_general3A_19 : vector<1x1024xf32> to vector<1024x1024xf32>
    %eq3A_24 = arith.cmpf oeq, %eq3A, %eq3A_23 : vector<1024x1024xf32>
    %lt3A_25 = arith.cmpi slt, %iota3A, %iota3A_20 : vector<1024x1024xi32>
    %and3A = arith.andi %eq3A_24, %lt3A_25 : vector<1024x1024xi1>
    %jit3A = arith.constant 1.000000e+00 : f32
    %jit3A_26 = arith.constant 0.000000e+00 : f32
    %broadcast_in_dim3A = vector.broadcast %jit3A : f32 to vector<1024x1024xf32>
    %broadcast_in_dim3A_27 = vector.broadcast %jit3A_26 : f32 to vector<1024x1024xf32>
    %select_n3A = arith.select %and3A, %broadcast_in_dim3A, %broadcast_in_dim3A_27 : vector<1024x1024xi1>, vector<1024x1024xf32>
    %jit3A_28 = arith.constant 1.000000e+00 : f32
    %broadcast_in_dim3A_29 = vector.broadcast %jit3A_28 : f32 to vector<1024x1024xf32>
    %select_n3A_30 = arith.select %lt3A_22, %broadcast_in_dim3A_29, %select_n3A : vector<1024x1024xi1>, vector<1024x1024xf32>
    %reduce_sum3A = arith.constant dense<0.000000e+00> : vector<1024xf32>
    %reduce_sum3A_31 = vector.multi_reduction <add>, %select_n3A_30, %reduce_sum3A [0] : vector<1024x1024xf32> to vector<1024xf32>
    %broadcast_in_dim3A_32 = vector.shape_cast %reduce_sum3A_31 : vector<1024xf32> to vector<1x1024xf32>
    %gt3A = arith.constant 1.020000e+02 : f32
    %gt3A_33 = vector.broadcast %gt3A : f32 to vector<1x1024xf32>
    %gt3A_34 = arith.cmpf ogt, %broadcast_in_dim3A_32, %gt3A_33 : vector<1x1024xf32>
    %convert_element_type3A = arith.extui %gt3A_34 : vector<1x1024xi1> to vector<1x1024xi32>
    %convert_element_type3A_35 = arith.sitofp %convert_element_type3A : vector<1x1024xi32> to vector<1x1024xf32>
    %le3A = arith.cmpi sle, %iota3A, %iota3A_20 : vector<1024x1024xi32>
    %convert_element_type3A_36 = arith.extui %le3A : vector<1024x1024xi1> to vector<1024x1024xi32>
    %convert_element_type3A_37 = arith.sitofp %convert_element_type3A_36 : vector<1024x1024xi32> to vector<1024x1024xf32>
    %dot_general3A_38 = arith.constant dense<0.000000e+00> : vector<1x1024xf32>
    %dot_general3A_39 = tpu.matmul %convert_element_type3A_35, %convert_element_type3A_37, %dot_general3A_38 {dimension_numbers = #tpu.dot_dimension_numbers<[1], [0], [0], [1], [0, 0, 1, 1], [], []>, transpose_lhs_hint = false} : vector<1x1024xf32>, vector<1024x1024xf32>, vector<1x1024xf32> -> vector<1x1024xf32>
    %iota3A_40 = tpu.iota {dimensions = array<i32: 0>} : vector<928x1xi32>
    %convert_element_type3A_41 = arith.sitofp %iota3A_40 : vector<928x1xi32> to vector<928x1xf32>
    %eq3A_42 = vector.broadcast %dot_general3A_39 : vector<1x1024xf32> to vector<928x1024xf32>
    %eq3A_43 = vector.broadcast %convert_element_type3A_41 : vector<928x1xf32> to vector<928x1024xf32>
    %eq3A_44 = arith.cmpf oeq, %eq3A_42, %eq3A_43 : vector<928x1024xf32>
    %gt3A_45 = arith.constant 5.000000e-01 : f32
    %gt3A_46 = vector.broadcast %gt3A_45 : f32 to vector<1x1024xf32>
    %gt3A_47 = arith.cmpf ogt, %convert_element_type3A_35, %gt3A_46 : vector<1x1024xf32>
    %and3A_48 = vector.broadcast %gt3A_47 : vector<1x1024xi1> to vector<928x1024xi1>
    %and3A_49 = arith.andi %eq3A_44, %and3A_48 : vector<928x1024xi1>
    %jit3A_50 = arith.constant 1.000000e+00 : f32
    %jit3A_51 = arith.constant 0.000000e+00 : f32
    %broadcast_in_dim3A_52 = vector.broadcast %jit3A_50 : f32 to vector<928x1024xf32>
    %broadcast_in_dim3A_53 = vector.broadcast %jit3A_51 : f32 to vector<928x1024xf32>
    %select_n3A_54 = arith.select %and3A_49, %broadcast_in_dim3A_52, %broadcast_in_dim3A_53 : vector<928x1024xi1>, vector<928x1024xf32>
    %iota3A_55 = tpu.iota {dimensions = array<i32: 0>} : vector<1024x1xi32>
    %convert_element_type3A_56 = arith.sitofp %iota3A_55 : vector<1024x1xi32> to vector<1024x1xf32>
    %dot_general3A_57 = arith.constant dense<0.000000e+00> : vector<928x1xf32>
    %dot_general3A_58 = tpu.matmul %select_n3A_54, %convert_element_type3A_56, %dot_general3A_57 {dimension_numbers = #tpu.dot_dimension_numbers<[1], [0], [0], [1], [0, 0, 1, 1], [], []>, transpose_lhs_hint = false} : vector<928x1024xf32>, vector<1024x1xf32>, vector<928x1xf32> -> vector<928x1xf32>
    %convert_element_type3A_59 = arith.fptosi %dot_general3A_58 : vector<928x1xf32> to vector<928x1xi32>
    %mul3A = arith.constant 1024 : i32
    %mul3A_60 = arith.muli %arg0, %mul3A : i32
    %add3A = vector.broadcast %mul3A_60 : i32 to vector<928x1xi32>
    %add3A_61 = arith.addi %convert_element_type3A_59, %add3A : vector<928x1xi32>
    %swap3A = arith.constant 0 : index
    %swap3A_62 = arith.constant 0 : index
    %swap3A_63 = arith.constant 0 : index
    %swap3A_64 = vector.load %arg4[%swap3A, %swap3A_62, %swap3A_63] : memref<1x928x1xi32, #tpu.memory_space<vmem>>, vector<1x928x1xi32>
    %swap3A_65 = vector.shape_cast %swap3A_64 : vector<1x928x1xi32> to vector<928x1xi32>
    %swap3A_66 = vector.shape_cast %add3A_61 : vector<928x1xi32> to vector<1x928x1xi32>
    tpu.vector_store %arg4[%swap3A, %swap3A_62, %swap3A_63], %swap3A_66 {strides = array<i32>} : memref<1x928x1xi32, #tpu.memory_space<vmem>>, vector<1x928x1xi32>,
    return
  }
  func.func @transform_0(%arg0: i32) -> (i32, i32, i32) {
    %c0_i32 = arith.constant 0 : i32
    %c0_i32_0 = arith.constant 0 : i32
    %c0_i32_1 = arith.constant 0 : i32
    return %arg0, %c0_i32, %c0_i32_0 : i32, i32, i32
  }
  func.func @transform_1(%arg0: i32) -> (i32, i32, i32) {
    %c0_i32 = arith.constant 0 : i32
    %c0_i32_0 = arith.constant 0 : i32
    %c0_i32_1 = arith.constant 0 : i32
    return %arg0, %c0_i32, %c0_i32_0 : i32, i32, i32
  }
  func.func @transform_2(%arg0: i32) -> (i32, i32) {
    %c0_i32 = arith.constant 0 : i32
    %c0_i32_0 = arith.constant 0 : i32
    %c0_i32_1 = arith.constant 0 : i32
    return %c0_i32, %c0_i32_0 : i32, i32
  }
  func.func @transform_3(%arg0: i32) -> (i32, i32, i32) {
    %c0_i32 = arith.constant 0 : i32
    %c0_i32_0 = arith.constant 0 : i32
    %c0_i32_1 = arith.constant 0 : i32
    return %arg0, %c0_i32, %c0_i32_0 : i32, i32, i32
  }
}

module attributes {stable_mosaic.version = 14 : i64} {
  func.func @_block_kernel(%arg0: i32, %arg1: memref<1x928x192xf32, #tpu.memory_space<vmem>>, %arg2: memref<1x1x192xf32, #tpu.memory_space<vmem>>, %arg3: memref<576x192xf32, #tpu.memory_space<vmem>>, %arg4: memref<192x192xf32, #tpu.memory_space<vmem>>, %arg5: memref<1x192xf32, #tpu.memory_space<vmem>>, %arg6: memref<1x192xf32, #tpu.memory_space<vmem>>, %arg7: memref<1x192xf32, #tpu.memory_space<vmem>>, %arg8: memref<1x192xf32, #tpu.memory_space<vmem>>, %arg9: memref<1x192xf32, #tpu.memory_space<vmem>>, %arg10: memref<768x192xf32, #tpu.memory_space<vmem>>, %arg11: memref<1x768xf32, #tpu.memory_space<vmem>>, %arg12: memref<192x768xf32, #tpu.memory_space<vmem>>, %arg13: memref<1x192xf32, #tpu.memory_space<vmem>>, %arg14: memref<1x922x192xf32, #tpu.memory_space<vmem>>) attributes {dimension_semantics = [#tpu.dimension_semantics<arbitrary>], iteration_bounds = array<i64: 8>, scalar_prefetch = 0 : i64, scratch_operands = 0 : i64, tpu.core_type = #tpu.core_type<tc>, window_params = [{transform_indices = @transform_0, window_bounds = array<i64: 1, 928, 192>}, {transform_indices = @transform_1, window_bounds = array<i64: 1, 1, 192>}, {pipeline_mode = #tpu.pipeline_mode<synchronous>, transform_indices = @transform_2, window_bounds = array<i64: 576, 192>}, {pipeline_mode = #tpu.pipeline_mode<synchronous>, transform_indices = @transform_3, window_bounds = array<i64: 192, 192>}, {pipeline_mode = #tpu.pipeline_mode<synchronous>, transform_indices = @transform_4, window_bounds = array<i64: 1, 192>}, {pipeline_mode = #tpu.pipeline_mode<synchronous>, transform_indices = @transform_5, window_bounds = array<i64: 1, 192>}, {pipeline_mode = #tpu.pipeline_mode<synchronous>, transform_indices = @transform_6, window_bounds = array<i64: 1, 192>}, {pipeline_mode = #tpu.pipeline_mode<synchronous>, transform_indices = @transform_7, window_bounds = array<i64: 1, 192>}, {pipeline_mode = #tpu.pipeline_mode<synchronous>, transform_indices = @transform_8, window_bounds = array<i64: 1, 192>}, {pipeline_mode = #tpu.pipeline_mode<synchronous>, transform_indices = @transform_9, window_bounds = array<i64: 768, 192>}, {pipeline_mode = #tpu.pipeline_mode<synchronous>, transform_indices = @transform_10, window_bounds = array<i64: 1, 768>}, {pipeline_mode = #tpu.pipeline_mode<synchronous>, transform_indices = @transform_11, window_bounds = array<i64: 192, 768>}, {pipeline_mode = #tpu.pipeline_mode<synchronous>, transform_indices = @transform_12, window_bounds = array<i64: 1, 192>}, {transform_indices = @transform_13, window_bounds = array<i64: 1, 922, 192>}]} {
    %get3A = arith.constant 0 : index
    %get3A_0 = arith.constant 0 : index
    %get3A_1 = arith.constant 0 : index
    %get3A_2 = vector.load %arg2[%get3A, %get3A_0, %get3A_1] : memref<1x1x192xf32, #tpu.memory_space<vmem>>, vector<1x1x192xf32>
    %get3A_3 = vector.shape_cast %get3A_2 : vector<1x1x192xf32> to vector<1x192xf32>
    %get3A_4 = arith.constant 0 : index
    %get3A_5 = arith.constant 0 : index
    %get3A_6 = arith.constant 0 : index
    %get3A_7 = vector.load %arg1[%get3A_4, %get3A_5, %get3A_6] : memref<1x928x192xf32, #tpu.memory_space<vmem>>, vector<1x928x192xf32>
    %get3A_8 = vector.shape_cast %get3A_7 : vector<1x928x192xf32> to vector<928x192xf32>
    %get3A_9 = arith.constant 0 : index
    %get3A_10 = arith.constant 0 : index
    %get3A_11 = vector.load %arg3[%get3A_9, %get3A_10] : memref<576x192xf32, #tpu.memory_space<vmem>>, vector<576x192xf32>
    %iota3A = tpu.iota {dimensions = array<i32: 0>} : vector<928x1xi32>
    %gt3A = arith.constant 0 : i32
    %gt3A_12 = vector.broadcast %gt3A : i32 to vector<928x1xi32>
    %gt3A_13 = arith.cmpi sgt, %iota3A, %gt3A_12 : vector<928x1xi32>
    %lt3A = arith.constant 922 : i32
    %lt3A_14 = vector.broadcast %lt3A : i32 to vector<928x1xi32>
    %lt3A_15 = arith.cmpi slt, %iota3A, %lt3A_14 : vector<928x1xi32>
    %and3A = arith.andi %gt3A_13, %lt3A_15 : vector<928x1xi1>
    %convert_element_type3A = arith.extui %and3A : vector<928x1xi1> to vector<928x1xi32>
    %convert_element_type3A_16 = arith.sitofp %convert_element_type3A : vector<928x1xi32> to vector<928x1xf32>
    %eq3A = arith.constant 0 : i32
    %eq3A_17 = vector.broadcast %eq3A : i32 to vector<928x1xi32>
    %eq3A_18 = arith.cmpi eq, %iota3A, %eq3A_17 : vector<928x1xi32>
    %convert_element_type3A_19 = arith.extui %eq3A_18 : vector<928x1xi1> to vector<928x1xi32>
    %convert_element_type3A_20 = arith.sitofp %convert_element_type3A_19 : vector<928x1xi32> to vector<928x1xf32>
    %mul3A = vector.broadcast %convert_element_type3A_16 : vector<928x1xf32> to vector<928x192xf32>
    %mul3A_21 = arith.mulf %get3A_8, %mul3A : vector<928x192xf32>
    %mul3A_22 = vector.broadcast %convert_element_type3A_20 : vector<928x1xf32> to vector<928x192xf32>
    %mul3A_23 = vector.broadcast %get3A_3 : vector<1x192xf32> to vector<928x192xf32>
    %mul3A_24 = arith.mulf %mul3A_22, %mul3A_23 : vector<928x192xf32>
    %add3A = arith.addf %mul3A_21, %mul3A_24 : vector<928x192xf32>
    %mul3A_25 = arith.constant 1.11111116 : f32
    %mul3A_26 = vector.broadcast %mul3A_25 : f32 to vector<928x192xf32>
    %mul3A_27 = arith.mulf %add3A, %mul3A_26 : vector<928x192xf32>
    %get3A_28 = arith.constant 0 : index
    %get3A_29 = arith.constant 0 : index
    %get3A_30 = vector.load %arg6[%get3A_28, %get3A_29] : memref<1x192xf32, #tpu.memory_space<vmem>>, vector<1x192xf32>
    %get3A_31 = arith.constant 0 : index
    %get3A_32 = arith.constant 0 : index
    %get3A_33 = vector.load %arg7[%get3A_31, %get3A_32] : memref<1x192xf32, #tpu.memory_space<vmem>>, vector<1x192xf32>
    %reduce_sum3A = arith.constant dense<0.000000e+00> : vector<928xf32>
    %reduce_sum3A_34 = vector.multi_reduction <add>, %mul3A_27, %reduce_sum3A [1] : vector<928x192xf32> to vector<928xf32>
    %broadcast_in_dim3A = vector.shape_cast %reduce_sum3A_34 : vector<928xf32> to vector<928x1xf32>
    %div3A = arith.constant 1.920000e+02 : f32
    %div3A_35 = vector.broadcast %div3A : f32 to vector<928x1xf32>
    %div3A_36 = arith.divf %broadcast_in_dim3A, %div3A_35 : vector<928x1xf32>
    %sub3A = vector.broadcast %div3A_36 : vector<928x1xf32> to vector<928x192xf32>
    %sub3A_37 = arith.subf %mul3A_27, %sub3A : vector<928x192xf32>
    %square3A = arith.mulf %sub3A_37, %sub3A_37 : vector<928x192xf32>
    %reduce_sum3A_38 = arith.constant dense<0.000000e+00> : vector<928xf32>
    %reduce_sum3A_39 = vector.multi_reduction <add>, %square3A, %reduce_sum3A_38 [1] : vector<928x192xf32> to vector<928xf32>
    %broadcast_in_dim3A_40 = vector.shape_cast %reduce_sum3A_39 : vector<928xf32> to vector<928x1xf32>
    %div3A_41 = arith.constant 1.920000e+02 : f32
    %div3A_42 = vector.broadcast %div3A_41 : f32 to vector<928x1xf32>
    %div3A_43 = arith.divf %broadcast_in_dim3A_40, %div3A_42 : vector<928x1xf32>
    %sub3A_44 = vector.broadcast %div3A_36 : vector<928x1xf32> to vector<928x192xf32>
    %sub3A_45 = arith.subf %mul3A_27, %sub3A_44 : vector<928x192xf32>
    %add3A_46 = arith.constant 9.99999974E-6 : f32
    %add3A_47 = vector.broadcast %add3A_46 : f32 to vector<928x1xf32>
    %add3A_48 = arith.addf %div3A_43, %add3A_47 : vector<928x1xf32>
    %sqrt3A = math.sqrt %add3A_48 : vector<928x1xf32>
    %div3A_49 = vector.broadcast %sqrt3A : vector<928x1xf32> to vector<928x192xf32>
    %div3A_50 = arith.divf %sub3A_45, %div3A_49 : vector<928x192xf32>
    %mul3A_51 = vector.broadcast %get3A_30 : vector<1x192xf32> to vector<928x192xf32>
    %mul3A_52 = arith.mulf %div3A_50, %mul3A_51 : vector<928x192xf32>
    %add3A_53 = vector.broadcast %get3A_33 : vector<1x192xf32> to vector<928x192xf32>
    %add3A_54 = arith.addf %mul3A_52, %add3A_53 : vector<928x192xf32>
    %dot_general3A = arith.constant dense<0.000000e+00> : vector<928x576xf32>
    %dot_general3A_55 = tpu.matmul %add3A_54, %get3A_11, %dot_general3A {dimension_numbers = #tpu.dot_dimension_numbers<[1], [1], [0], [0], [0, 0, 1, 0], [], []>, transpose_lhs_hint = false} : vector<928x192xf32>, vector<576x192xf32>, vector<928x576xf32> -> vector<928x576xf32>
    %iota3A_56 = tpu.iota {dimensions = array<i32: 0>} : vector<928x1xi32>
    %lt3A_57 = arith.constant 922 : i32
    %lt3A_58 = vector.broadcast %lt3A_57 : i32 to vector<928x1xi32>
    %lt3A_59 = arith.cmpi slt, %iota3A_56, %lt3A_58 : vector<928x1xi32>
    %convert_element_type3A_60 = arith.extui %lt3A_59 : vector<928x1xi1> to vector<928x1xi32>
    %convert_element_type3A_61 = arith.sitofp %convert_element_type3A_60 : vector<928x1xi32> to vector<928x1xf32>
    %slice3A = vector.extract_strided_slice %dot_general3A_55 {offsets = [0, 0], sizes = [928, 16], strides = [1, 1]} : vector<928x576xf32> to vector<928x16xf32>
    %mul3A_62 = arith.constant 2.500000e-01 : f32
    %mul3A_63 = vector.broadcast %mul3A_62 : f32 to vector<928x16xf32>
    %mul3A_64 = arith.mulf %slice3A, %mul3A_63 : vector<928x16xf32>
    %slice3A_65 = vector.extract_strided_slice %dot_general3A_55 {offsets = [0, 192], sizes = [928, 16], strides = [1, 1]} : vector<928x576xf32> to vector<928x16xf32>
    %slice3A_66 = vector.extract_strided_slice %dot_general3A_55 {offsets = [0, 384], sizes = [928, 16], strides = [1, 1]} : vector<928x576xf32> to vector<928x16xf32>
    %dot_general3A_67 = arith.constant dense<0.000000e+00> : vector<928x928xf32>
    %dot_general3A_68 = tpu.matmul %mul3A_64, %slice3A_65, %dot_general3A_67 {dimension_numbers = #tpu.dot_dimension_numbers<[1], [1], [0], [0], [0, 0, 1, 0], [], []>, transpose_lhs_hint = false} : vector<928x16xf32>, vector<928x16xf32>, vector<928x928xf32> -> vector<928x928xf32>
    %exp3A = math.exp %dot_general3A_68 : vector<928x928xf32>
    %convert_element_type3A_69 = arith.truncf %exp3A : vector<928x928xf32> to vector<928x928xbf16>
    %mul3A_70 = vector.broadcast %convert_element_type3A_61 : vector<928x1xf32> to vector<928x16xf32>
    %mul3A_71 = arith.mulf %slice3A_66, %mul3A_70 : vector<928x16xf32>
    %concatenate3A = tpu.concatenate %mul3A_71, %convert_element_type3A_61 in 1 : vector<928x16xf32>, vector<928x1xf32> -> vector<928x17xf32>
    %convert_element_type3A_72 = arith.truncf %concatenate3A : vector<928x17xf32> to vector<928x17xbf16>
    %dot_general3A_73 = arith.constant dense<0.000000e+00> : vector<928x17xf32>
    %dot_general3A_74 = tpu.matmul %convert_element_type3A_69, %convert_element_type3A_72, %dot_general3A_73 {dimension_numbers = #tpu.dot_dimension_numbers<[1], [0], [0], [1], [0, 0, 1, 1], [], []>, transpose_lhs_hint = false} : vector<928x928xbf16>, vector<928x17xbf16>, vector<928x17xf32> -> vector<928x17xf32>
    %slice3A_75 = vector.extract_strided_slice %dot_general3A_74 {offsets = [0, 0], sizes = [928, 16], strides = [1, 1]} : vector<928x17xf32> to vector<928x16xf32>
    %slice3A_76 = vector.extract_strided_slice %dot_general3A_74 {offsets = [0, 16], sizes = [928, 1], strides = [1, 1]} : vector<928x17xf32> to vector<928x1xf32>
    %div3A_77 = vector.broadcast %slice3A_76 : vector<928x1xf32> to vector<928x16xf32>
    %div3A_78 = arith.divf %slice3A_75, %div3A_77 : vector<928x16xf32>
    %slice3A_79 = vector.extract_strided_slice %dot_general3A_55 {offsets = [0, 16], sizes = [928, 16], strides = [1, 1]} : vector<928x576xf32> to vector<928x16xf32>
    %mul3A_80 = arith.constant 2.500000e-01 : f32
    %mul3A_81 = vector.broadcast %mul3A_80 : f32 to vector<928x16xf32>
    %mul3A_82 = arith.mulf %slice3A_79, %mul3A_81 : vector<928x16xf32>
    %slice3A_83 = vector.extract_strided_slice %dot_general3A_55 {offsets = [0, 208], sizes = [928, 16], strides = [1, 1]} : vector<928x576xf32> to vector<928x16xf32>
    %slice3A_84 = vector.extract_strided_slice %dot_general3A_55 {offsets = [0, 400], sizes = [928, 16], strides = [1, 1]} : vector<928x576xf32> to vector<928x16xf32>
    %dot_general3A_85 = arith.constant dense<0.000000e+00> : vector<928x928xf32>
    %dot_general3A_86 = tpu.matmul %mul3A_82, %slice3A_83, %dot_general3A_85 {dimension_numbers = #tpu.dot_dimension_numbers<[1], [1], [0], [0], [0, 0, 1, 0], [], []>, transpose_lhs_hint = false} : vector<928x16xf32>, vector<928x16xf32>, vector<928x928xf32> -> vector<928x928xf32>
    %exp3A_87 = math.exp %dot_general3A_86 : vector<928x928xf32>
    %convert_element_type3A_88 = arith.truncf %exp3A_87 : vector<928x928xf32> to vector<928x928xbf16>
    %mul3A_89 = vector.broadcast %convert_element_type3A_61 : vector<928x1xf32> to vector<928x16xf32>
    %mul3A_90 = arith.mulf %slice3A_84, %mul3A_89 : vector<928x16xf32>
    %concatenate3A_91 = tpu.concatenate %mul3A_90, %convert_element_type3A_61 in 1 : vector<928x16xf32>, vector<928x1xf32> -> vector<928x17xf32>
    %convert_element_type3A_92 = arith.truncf %concatenate3A_91 : vector<928x17xf32> to vector<928x17xbf16>
    %dot_general3A_93 = arith.constant dense<0.000000e+00> : vector<928x17xf32>
    %dot_general3A_94 = tpu.matmul %convert_element_type3A_88, %convert_element_type3A_92, %dot_general3A_93 {dimension_numbers = #tpu.dot_dimension_numbers<[1], [0], [0], [1], [0, 0, 1, 1], [], []>, transpose_lhs_hint = false} : vector<928x928xbf16>, vector<928x17xbf16>, vector<928x17xf32> -> vector<928x17xf32>
    %slice3A_95 = vector.extract_strided_slice %dot_general3A_94 {offsets = [0, 0], sizes = [928, 16], strides = [1, 1]} : vector<928x17xf32> to vector<928x16xf32>
    %slice3A_96 = vector.extract_strided_slice %dot_general3A_94 {offsets = [0, 16], sizes = [928, 1], strides = [1, 1]} : vector<928x17xf32> to vector<928x1xf32>
    %div3A_97 = vector.broadcast %slice3A_96 : vector<928x1xf32> to vector<928x16xf32>
    %div3A_98 = arith.divf %slice3A_95, %div3A_97 : vector<928x16xf32>
    %slice3A_99 = vector.extract_strided_slice %dot_general3A_55 {offsets = [0, 32], sizes = [928, 16], strides = [1, 1]} : vector<928x576xf32> to vector<928x16xf32>
    %mul3A_100 = arith.constant 2.500000e-01 : f32
    %mul3A_101 = vector.broadcast %mul3A_100 : f32 to vector<928x16xf32>
    %mul3A_102 = arith.mulf %slice3A_99, %mul3A_101 : vector<928x16xf32>
    %slice3A_103 = vector.extract_strided_slice %dot_general3A_55 {offsets = [0, 224], sizes = [928, 16], strides = [1, 1]} : vector<928x576xf32> to vector<928x16xf32>
    %slice3A_104 = vector.extract_strided_slice %dot_general3A_55 {offsets = [0, 416], sizes = [928, 16], strides = [1, 1]} : vector<928x576xf32> to vector<928x16xf32>
    %dot_general3A_105 = arith.constant dense<0.000000e+00> : vector<928x928xf32>
    %dot_general3A_106 = tpu.matmul %mul3A_102, %slice3A_103, %dot_general3A_105 {dimension_numbers = #tpu.dot_dimension_numbers<[1], [1], [0], [0], [0, 0, 1, 0], [], []>, transpose_lhs_hint = false} : vector<928x16xf32>, vector<928x16xf32>, vector<928x928xf32> -> vector<928x928xf32>
    %exp3A_107 = math.exp %dot_general3A_106 : vector<928x928xf32>
    %convert_element_type3A_108 = arith.truncf %exp3A_107 : vector<928x928xf32> to vector<928x928xbf16>
    %mul3A_109 = vector.broadcast %convert_element_type3A_61 : vector<928x1xf32> to vector<928x16xf32>
    %mul3A_110 = arith.mulf %slice3A_104, %mul3A_109 : vector<928x16xf32>
    %concatenate3A_111 = tpu.concatenate %mul3A_110, %convert_element_type3A_61 in 1 : vector<928x16xf32>, vector<928x1xf32> -> vector<928x17xf32>
    %convert_element_type3A_112 = arith.truncf %concatenate3A_111 : vector<928x17xf32> to vector<928x17xbf16>
    %dot_general3A_113 = arith.constant dense<0.000000e+00> : vector<928x17xf32>
    %dot_general3A_114 = tpu.matmul %convert_element_type3A_108, %convert_element_type3A_112, %dot_general3A_113 {dimension_numbers = #tpu.dot_dimension_numbers<[1], [0], [0], [1], [0, 0, 1, 1], [], []>, transpose_lhs_hint = false} : vector<928x928xbf16>, vector<928x17xbf16>, vector<928x17xf32> -> vector<928x17xf32>
    %slice3A_115 = vector.extract_strided_slice %dot_general3A_114 {offsets = [0, 0], sizes = [928, 16], strides = [1, 1]} : vector<928x17xf32> to vector<928x16xf32>
    %slice3A_116 = vector.extract_strided_slice %dot_general3A_114 {offsets = [0, 16], sizes = [928, 1], strides = [1, 1]} : vector<928x17xf32> to vector<928x1xf32>
    %div3A_117 = vector.broadcast %slice3A_116 : vector<928x1xf32> to vector<928x16xf32>
    %div3A_118 = arith.divf %slice3A_115, %div3A_117 : vector<928x16xf32>
    %slice3A_119 = vector.extract_strided_slice %dot_general3A_55 {offsets = [0, 48], sizes = [928, 16], strides = [1, 1]} : vector<928x576xf32> to vector<928x16xf32>
    %mul3A_120 = arith.constant 2.500000e-01 : f32
    %mul3A_121 = vector.broadcast %mul3A_120 : f32 to vector<928x16xf32>
    %mul3A_122 = arith.mulf %slice3A_119, %mul3A_121 : vector<928x16xf32>
    %slice3A_123 = vector.extract_strided_slice %dot_general3A_55 {offsets = [0, 240], sizes = [928, 16], strides = [1, 1]} : vector<928x576xf32> to vector<928x16xf32>
    %slice3A_124 = vector.extract_strided_slice %dot_general3A_55 {offsets = [0, 432], sizes = [928, 16], strides = [1, 1]} : vector<928x576xf32> to vector<928x16xf32>
    %dot_general3A_125 = arith.constant dense<0.000000e+00> : vector<928x928xf32>
    %dot_general3A_126 = tpu.matmul %mul3A_122, %slice3A_123, %dot_general3A_125 {dimension_numbers = #tpu.dot_dimension_numbers<[1], [1], [0], [0], [0, 0, 1, 0], [], []>, transpose_lhs_hint = false} : vector<928x16xf32>, vector<928x16xf32>, vector<928x928xf32> -> vector<928x928xf32>
    %exp3A_127 = math.exp %dot_general3A_126 : vector<928x928xf32>
    %convert_element_type3A_128 = arith.truncf %exp3A_127 : vector<928x928xf32> to vector<928x928xbf16>
    %mul3A_129 = vector.broadcast %convert_element_type3A_61 : vector<928x1xf32> to vector<928x16xf32>
    %mul3A_130 = arith.mulf %slice3A_124, %mul3A_129 : vector<928x16xf32>
    %concatenate3A_131 = tpu.concatenate %mul3A_130, %convert_element_type3A_61 in 1 : vector<928x16xf32>, vector<928x1xf32> -> vector<928x17xf32>
    %convert_element_type3A_132 = arith.truncf %concatenate3A_131 : vector<928x17xf32> to vector<928x17xbf16>
    %dot_general3A_133 = arith.constant dense<0.000000e+00> : vector<928x17xf32>
    %dot_general3A_134 = tpu.matmul %convert_element_type3A_128, %convert_element_type3A_132, %dot_general3A_133 {dimension_numbers = #tpu.dot_dimension_numbers<[1], [0], [0], [1], [0, 0, 1, 1], [], []>, transpose_lhs_hint = false} : vector<928x928xbf16>, vector<928x17xbf16>, vector<928x17xf32> -> vector<928x17xf32>
    %slice3A_135 = vector.extract_strided_slice %dot_general3A_134 {offsets = [0, 0], sizes = [928, 16], strides = [1, 1]} : vector<928x17xf32> to vector<928x16xf32>
    %slice3A_136 = vector.extract_strided_slice %dot_general3A_134 {offsets = [0, 16], sizes = [928, 1], strides = [1, 1]} : vector<928x17xf32> to vector<928x1xf32>
    %div3A_137 = vector.broadcast %slice3A_136 : vector<928x1xf32> to vector<928x16xf32>
    %div3A_138 = arith.divf %slice3A_135, %div3A_137 : vector<928x16xf32>
    %slice3A_139 = vector.extract_strided_slice %dot_general3A_55 {offsets = [0, 64], sizes = [928, 16], strides = [1, 1]} : vector<928x576xf32> to vector<928x16xf32>
    %mul3A_140 = arith.constant 2.500000e-01 : f32
    %mul3A_141 = vector.broadcast %mul3A_140 : f32 to vector<928x16xf32>
    %mul3A_142 = arith.mulf %slice3A_139, %mul3A_141 : vector<928x16xf32>
    %slice3A_143 = vector.extract_strided_slice %dot_general3A_55 {offsets = [0, 256], sizes = [928, 16], strides = [1, 1]} : vector<928x576xf32> to vector<928x16xf32>
    %slice3A_144 = vector.extract_strided_slice %dot_general3A_55 {offsets = [0, 448], sizes = [928, 16], strides = [1, 1]} : vector<928x576xf32> to vector<928x16xf32>
    %dot_general3A_145 = arith.constant dense<0.000000e+00> : vector<928x928xf32>
    %dot_general3A_146 = tpu.matmul %mul3A_142, %slice3A_143, %dot_general3A_145 {dimension_numbers = #tpu.dot_dimension_numbers<[1], [1], [0], [0], [0, 0, 1, 0], [], []>, transpose_lhs_hint = false} : vector<928x16xf32>, vector<928x16xf32>, vector<928x928xf32> -> vector<928x928xf32>
    %exp3A_147 = math.exp %dot_general3A_146 : vector<928x928xf32>
    %convert_element_type3A_148 = arith.truncf %exp3A_147 : vector<928x928xf32> to vector<928x928xbf16>
    %mul3A_149 = vector.broadcast %convert_element_type3A_61 : vector<928x1xf32> to vector<928x16xf32>
    %mul3A_150 = arith.mulf %slice3A_144, %mul3A_149 : vector<928x16xf32>
    %concatenate3A_151 = tpu.concatenate %mul3A_150, %convert_element_type3A_61 in 1 : vector<928x16xf32>, vector<928x1xf32> -> vector<928x17xf32>
    %convert_element_type3A_152 = arith.truncf %concatenate3A_151 : vector<928x17xf32> to vector<928x17xbf16>
    %dot_general3A_153 = arith.constant dense<0.000000e+00> : vector<928x17xf32>
    %dot_general3A_154 = tpu.matmul %convert_element_type3A_148, %convert_element_type3A_152, %dot_general3A_153 {dimension_numbers = #tpu.dot_dimension_numbers<[1], [0], [0], [1], [0, 0, 1, 1], [], []>, transpose_lhs_hint = false} : vector<928x928xbf16>, vector<928x17xbf16>, vector<928x17xf32> -> vector<928x17xf32>
    %slice3A_155 = vector.extract_strided_slice %dot_general3A_154 {offsets = [0, 0], sizes = [928, 16], strides = [1, 1]} : vector<928x17xf32> to vector<928x16xf32>
    %slice3A_156 = vector.extract_strided_slice %dot_general3A_154 {offsets = [0, 16], sizes = [928, 1], strides = [1, 1]} : vector<928x17xf32> to vector<928x1xf32>
    %div3A_157 = vector.broadcast %slice3A_156 : vector<928x1xf32> to vector<928x16xf32>
    %div3A_158 = arith.divf %slice3A_155, %div3A_157 : vector<928x16xf32>
    %slice3A_159 = vector.extract_strided_slice %dot_general3A_55 {offsets = [0, 80], sizes = [928, 16], strides = [1, 1]} : vector<928x576xf32> to vector<928x16xf32>
    %mul3A_160 = arith.constant 2.500000e-01 : f32
    %mul3A_161 = vector.broadcast %mul3A_160 : f32 to vector<928x16xf32>
    %mul3A_162 = arith.mulf %slice3A_159, %mul3A_161 : vector<928x16xf32>
    %slice3A_163 = vector.extract_strided_slice %dot_general3A_55 {offsets = [0, 272], sizes = [928, 16], strides = [1, 1]} : vector<928x576xf32> to vector<928x16xf32>
    %slice3A_164 = vector.extract_strided_slice %dot_general3A_55 {offsets = [0, 464], sizes = [928, 16], strides = [1, 1]} : vector<928x576xf32> to vector<928x16xf32>
    %dot_general3A_165 = arith.constant dense<0.000000e+00> : vector<928x928xf32>
    %dot_general3A_166 = tpu.matmul %mul3A_162, %slice3A_163, %dot_general3A_165 {dimension_numbers = #tpu.dot_dimension_numbers<[1], [1], [0], [0], [0, 0, 1, 0], [], []>, transpose_lhs_hint = false} : vector<928x16xf32>, vector<928x16xf32>, vector<928x928xf32> -> vector<928x928xf32>
    %exp3A_167 = math.exp %dot_general3A_166 : vector<928x928xf32>
    %convert_element_type3A_168 = arith.truncf %exp3A_167 : vector<928x928xf32> to vector<928x928xbf16>
    %mul3A_169 = vector.broadcast %convert_element_type3A_61 : vector<928x1xf32> to vector<928x16xf32>
    %mul3A_170 = arith.mulf %slice3A_164, %mul3A_169 : vector<928x16xf32>
    %concatenate3A_171 = tpu.concatenate %mul3A_170, %convert_element_type3A_61 in 1 : vector<928x16xf32>, vector<928x1xf32> -> vector<928x17xf32>
    %convert_element_type3A_172 = arith.truncf %concatenate3A_171 : vector<928x17xf32> to vector<928x17xbf16>
    %dot_general3A_173 = arith.constant dense<0.000000e+00> : vector<928x17xf32>
    %dot_general3A_174 = tpu.matmul %convert_element_type3A_168, %convert_element_type3A_172, %dot_general3A_173 {dimension_numbers = #tpu.dot_dimension_numbers<[1], [0], [0], [1], [0, 0, 1, 1], [], []>, transpose_lhs_hint = false} : vector<928x928xbf16>, vector<928x17xbf16>, vector<928x17xf32> -> vector<928x17xf32>
    %slice3A_175 = vector.extract_strided_slice %dot_general3A_174 {offsets = [0, 0], sizes = [928, 16], strides = [1, 1]} : vector<928x17xf32> to vector<928x16xf32>
    %slice3A_176 = vector.extract_strided_slice %dot_general3A_174 {offsets = [0, 16], sizes = [928, 1], strides = [1, 1]} : vector<928x17xf32> to vector<928x1xf32>
    %div3A_177 = vector.broadcast %slice3A_176 : vector<928x1xf32> to vector<928x16xf32>
    %div3A_178 = arith.divf %slice3A_175, %div3A_177 : vector<928x16xf32>
    %slice3A_179 = vector.extract_strided_slice %dot_general3A_55 {offsets = [0, 96], sizes = [928, 16], strides = [1, 1]} : vector<928x576xf32> to vector<928x16xf32>
    %mul3A_180 = arith.constant 2.500000e-01 : f32
    %mul3A_181 = vector.broadcast %mul3A_180 : f32 to vector<928x16xf32>
    %mul3A_182 = arith.mulf %slice3A_179, %mul3A_181 : vector<928x16xf32>
    %slice3A_183 = vector.extract_strided_slice %dot_general3A_55 {offsets = [0, 288], sizes = [928, 16], strides = [1, 1]} : vector<928x576xf32> to vector<928x16xf32>
    %slice3A_184 = vector.extract_strided_slice %dot_general3A_55 {offsets = [0, 480], sizes = [928, 16], strides = [1, 1]} : vector<928x576xf32> to vector<928x16xf32>
    %dot_general3A_185 = arith.constant dense<0.000000e+00> : vector<928x928xf32>
    %dot_general3A_186 = tpu.matmul %mul3A_182, %slice3A_183, %dot_general3A_185 {dimension_numbers = #tpu.dot_dimension_numbers<[1], [1], [0], [0], [0, 0, 1, 0], [], []>, transpose_lhs_hint = false} : vector<928x16xf32>, vector<928x16xf32>, vector<928x928xf32> -> vector<928x928xf32>
    %exp3A_187 = math.exp %dot_general3A_186 : vector<928x928xf32>
    %convert_element_type3A_188 = arith.truncf %exp3A_187 : vector<928x928xf32> to vector<928x928xbf16>
    %mul3A_189 = vector.broadcast %convert_element_type3A_61 : vector<928x1xf32> to vector<928x16xf32>
    %mul3A_190 = arith.mulf %slice3A_184, %mul3A_189 : vector<928x16xf32>
    %concatenate3A_191 = tpu.concatenate %mul3A_190, %convert_element_type3A_61 in 1 : vector<928x16xf32>, vector<928x1xf32> -> vector<928x17xf32>
    %convert_element_type3A_192 = arith.truncf %concatenate3A_191 : vector<928x17xf32> to vector<928x17xbf16>
    %dot_general3A_193 = arith.constant dense<0.000000e+00> : vector<928x17xf32>
    %dot_general3A_194 = tpu.matmul %convert_element_type3A_188, %convert_element_type3A_192, %dot_general3A_193 {dimension_numbers = #tpu.dot_dimension_numbers<[1], [0], [0], [1], [0, 0, 1, 1], [], []>, transpose_lhs_hint = false} : vector<928x928xbf16>, vector<928x17xbf16>, vector<928x17xf32> -> vector<928x17xf32>
    %slice3A_195 = vector.extract_strided_slice %dot_general3A_194 {offsets = [0, 0], sizes = [928, 16], strides = [1, 1]} : vector<928x17xf32> to vector<928x16xf32>
    %slice3A_196 = vector.extract_strided_slice %dot_general3A_194 {offsets = [0, 16], sizes = [928, 1], strides = [1, 1]} : vector<928x17xf32> to vector<928x1xf32>
    %div3A_197 = vector.broadcast %slice3A_196 : vector<928x1xf32> to vector<928x16xf32>
    %div3A_198 = arith.divf %slice3A_195, %div3A_197 : vector<928x16xf32>
    %slice3A_199 = vector.extract_strided_slice %dot_general3A_55 {offsets = [0, 112], sizes = [928, 16], strides = [1, 1]} : vector<928x576xf32> to vector<928x16xf32>
    %mul3A_200 = arith.constant 2.500000e-01 : f32
    %mul3A_201 = vector.broadcast %mul3A_200 : f32 to vector<928x16xf32>
    %mul3A_202 = arith.mulf %slice3A_199, %mul3A_201 : vector<928x16xf32>
    %slice3A_203 = vector.extract_strided_slice %dot_general3A_55 {offsets = [0, 304], sizes = [928, 16], strides = [1, 1]} : vector<928x576xf32> to vector<928x16xf32>
    %slice3A_204 = vector.extract_strided_slice %dot_general3A_55 {offsets = [0, 496], sizes = [928, 16], strides = [1, 1]} : vector<928x576xf32> to vector<928x16xf32>
    %dot_general3A_205 = arith.constant dense<0.000000e+00> : vector<928x928xf32>
    %dot_general3A_206 = tpu.matmul %mul3A_202, %slice3A_203, %dot_general3A_205 {dimension_numbers = #tpu.dot_dimension_numbers<[1], [1], [0], [0], [0, 0, 1, 0], [], []>, transpose_lhs_hint = false} : vector<928x16xf32>, vector<928x16xf32>, vector<928x928xf32> -> vector<928x928xf32>
    %exp3A_207 = math.exp %dot_general3A_206 : vector<928x928xf32>
    %convert_element_type3A_208 = arith.truncf %exp3A_207 : vector<928x928xf32> to vector<928x928xbf16>
    %mul3A_209 = vector.broadcast %convert_element_type3A_61 : vector<928x1xf32> to vector<928x16xf32>
    %mul3A_210 = arith.mulf %slice3A_204, %mul3A_209 : vector<928x16xf32>
    %concatenate3A_211 = tpu.concatenate %mul3A_210, %convert_element_type3A_61 in 1 : vector<928x16xf32>, vector<928x1xf32> -> vector<928x17xf32>
    %convert_element_type3A_212 = arith.truncf %concatenate3A_211 : vector<928x17xf32> to vector<928x17xbf16>
    %dot_general3A_213 = arith.constant dense<0.000000e+00> : vector<928x17xf32>
    %dot_general3A_214 = tpu.matmul %convert_element_type3A_208, %convert_element_type3A_212, %dot_general3A_213 {dimension_numbers = #tpu.dot_dimension_numbers<[1], [0], [0], [1], [0, 0, 1, 1], [], []>, transpose_lhs_hint = false} : vector<928x928xbf16>, vector<928x17xbf16>, vector<928x17xf32> -> vector<928x17xf32>
    %slice3A_215 = vector.extract_strided_slice %dot_general3A_214 {offsets = [0, 0], sizes = [928, 16], strides = [1, 1]} : vector<928x17xf32> to vector<928x16xf32>
    %slice3A_216 = vector.extract_strided_slice %dot_general3A_214 {offsets = [0, 16], sizes = [928, 1], strides = [1, 1]} : vector<928x17xf32> to vector<928x1xf32>
    %div3A_217 = vector.broadcast %slice3A_216 : vector<928x1xf32> to vector<928x16xf32>
    %div3A_218 = arith.divf %slice3A_215, %div3A_217 : vector<928x16xf32>
    %slice3A_219 = vector.extract_strided_slice %dot_general3A_55 {offsets = [0, 128], sizes = [928, 16], strides = [1, 1]} : vector<928x576xf32> to vector<928x16xf32>
    %mul3A_220 = arith.constant 2.500000e-01 : f32
    %mul3A_221 = vector.broadcast %mul3A_220 : f32 to vector<928x16xf32>
    %mul3A_222 = arith.mulf %slice3A_219, %mul3A_221 : vector<928x16xf32>
    %slice3A_223 = vector.extract_strided_slice %dot_general3A_55 {offsets = [0, 320], sizes = [928, 16], strides = [1, 1]} : vector<928x576xf32> to vector<928x16xf32>
    %slice3A_224 = vector.extract_strided_slice %dot_general3A_55 {offsets = [0, 512], sizes = [928, 16], strides = [1, 1]} : vector<928x576xf32> to vector<928x16xf32>
    %dot_general3A_225 = arith.constant dense<0.000000e+00> : vector<928x928xf32>
    %dot_general3A_226 = tpu.matmul %mul3A_222, %slice3A_223, %dot_general3A_225 {dimension_numbers = #tpu.dot_dimension_numbers<[1], [1], [0], [0], [0, 0, 1, 0], [], []>, transpose_lhs_hint = false} : vector<928x16xf32>, vector<928x16xf32>, vector<928x928xf32> -> vector<928x928xf32>
    %exp3A_227 = math.exp %dot_general3A_226 : vector<928x928xf32>
    %convert_element_type3A_228 = arith.truncf %exp3A_227 : vector<928x928xf32> to vector<928x928xbf16>
    %mul3A_229 = vector.broadcast %convert_element_type3A_61 : vector<928x1xf32> to vector<928x16xf32>
    %mul3A_230 = arith.mulf %slice3A_224, %mul3A_229 : vector<928x16xf32>
    %concatenate3A_231 = tpu.concatenate %mul3A_230, %convert_element_type3A_61 in 1 : vector<928x16xf32>, vector<928x1xf32> -> vector<928x17xf32>
    %convert_element_type3A_232 = arith.truncf %concatenate3A_231 : vector<928x17xf32> to vector<928x17xbf16>
    %dot_general3A_233 = arith.constant dense<0.000000e+00> : vector<928x17xf32>
    %dot_general3A_234 = tpu.matmul %convert_element_type3A_228, %convert_element_type3A_232, %dot_general3A_233 {dimension_numbers = #tpu.dot_dimension_numbers<[1], [0], [0], [1], [0, 0, 1, 1], [], []>, transpose_lhs_hint = false} : vector<928x928xbf16>, vector<928x17xbf16>, vector<928x17xf32> -> vector<928x17xf32>
    %slice3A_235 = vector.extract_strided_slice %dot_general3A_234 {offsets = [0, 0], sizes = [928, 16], strides = [1, 1]} : vector<928x17xf32> to vector<928x16xf32>
    %slice3A_236 = vector.extract_strided_slice %dot_general3A_234 {offsets = [0, 16], sizes = [928, 1], strides = [1, 1]} : vector<928x17xf32> to vector<928x1xf32>
    %div3A_237 = vector.broadcast %slice3A_236 : vector<928x1xf32> to vector<928x16xf32>
    %div3A_238 = arith.divf %slice3A_235, %div3A_237 : vector<928x16xf32>
    %slice3A_239 = vector.extract_strided_slice %dot_general3A_55 {offsets = [0, 144], sizes = [928, 16], strides = [1, 1]} : vector<928x576xf32> to vector<928x16xf32>
    %mul3A_240 = arith.constant 2.500000e-01 : f32
    %mul3A_241 = vector.broadcast %mul3A_240 : f32 to vector<928x16xf32>
    %mul3A_242 = arith.mulf %slice3A_239, %mul3A_241 : vector<928x16xf32>
    %slice3A_243 = vector.extract_strided_slice %dot_general3A_55 {offsets = [0, 336], sizes = [928, 16], strides = [1, 1]} : vector<928x576xf32> to vector<928x16xf32>
    %slice3A_244 = vector.extract_strided_slice %dot_general3A_55 {offsets = [0, 528], sizes = [928, 16], strides = [1, 1]} : vector<928x576xf32> to vector<928x16xf32>
    %dot_general3A_245 = arith.constant dense<0.000000e+00> : vector<928x928xf32>
    %dot_general3A_246 = tpu.matmul %mul3A_242, %slice3A_243, %dot_general3A_245 {dimension_numbers = #tpu.dot_dimension_numbers<[1], [1], [0], [0], [0, 0, 1, 0], [], []>, transpose_lhs_hint = false} : vector<928x16xf32>, vector<928x16xf32>, vector<928x928xf32> -> vector<928x928xf32>
    %exp3A_247 = math.exp %dot_general3A_246 : vector<928x928xf32>
    %convert_element_type3A_248 = arith.truncf %exp3A_247 : vector<928x928xf32> to vector<928x928xbf16>
    %mul3A_249 = vector.broadcast %convert_element_type3A_61 : vector<928x1xf32> to vector<928x16xf32>
    %mul3A_250 = arith.mulf %slice3A_244, %mul3A_249 : vector<928x16xf32>
    %concatenate3A_251 = tpu.concatenate %mul3A_250, %convert_element_type3A_61 in 1 : vector<928x16xf32>, vector<928x1xf32> -> vector<928x17xf32>
    %convert_element_type3A_252 = arith.truncf %concatenate3A_251 : vector<928x17xf32> to vector<928x17xbf16>
    %dot_general3A_253 = arith.constant dense<0.000000e+00> : vector<928x17xf32>
    %dot_general3A_254 = tpu.matmul %convert_element_type3A_248, %convert_element_type3A_252, %dot_general3A_253 {dimension_numbers = #tpu.dot_dimension_numbers<[1], [0], [0], [1], [0, 0, 1, 1], [], []>, transpose_lhs_hint = false} : vector<928x928xbf16>, vector<928x17xbf16>, vector<928x17xf32> -> vector<928x17xf32>
    %slice3A_255 = vector.extract_strided_slice %dot_general3A_254 {offsets = [0, 0], sizes = [928, 16], strides = [1, 1]} : vector<928x17xf32> to vector<928x16xf32>
    %slice3A_256 = vector.extract_strided_slice %dot_general3A_254 {offsets = [0, 16], sizes = [928, 1], strides = [1, 1]} : vector<928x17xf32> to vector<928x1xf32>
    %div3A_257 = vector.broadcast %slice3A_256 : vector<928x1xf32> to vector<928x16xf32>
    %div3A_258 = arith.divf %slice3A_255, %div3A_257 : vector<928x16xf32>
    %slice3A_259 = vector.extract_strided_slice %dot_general3A_55 {offsets = [0, 160], sizes = [928, 16], strides = [1, 1]} : vector<928x576xf32> to vector<928x16xf32>
    %mul3A_260 = arith.constant 2.500000e-01 : f32
    %mul3A_261 = vector.broadcast %mul3A_260 : f32 to vector<928x16xf32>
    %mul3A_262 = arith.mulf %slice3A_259, %mul3A_261 : vector<928x16xf32>
    %slice3A_263 = vector.extract_strided_slice %dot_general3A_55 {offsets = [0, 352], sizes = [928, 16], strides = [1, 1]} : vector<928x576xf32> to vector<928x16xf32>
    %slice3A_264 = vector.extract_strided_slice %dot_general3A_55 {offsets = [0, 544], sizes = [928, 16], strides = [1, 1]} : vector<928x576xf32> to vector<928x16xf32>
    %dot_general3A_265 = arith.constant dense<0.000000e+00> : vector<928x928xf32>
    %dot_general3A_266 = tpu.matmul %mul3A_262, %slice3A_263, %dot_general3A_265 {dimension_numbers = #tpu.dot_dimension_numbers<[1], [1], [0], [0], [0, 0, 1, 0], [], []>, transpose_lhs_hint = false} : vector<928x16xf32>, vector<928x16xf32>, vector<928x928xf32> -> vector<928x928xf32>
    %exp3A_267 = math.exp %dot_general3A_266 : vector<928x928xf32>
    %convert_element_type3A_268 = arith.truncf %exp3A_267 : vector<928x928xf32> to vector<928x928xbf16>
    %mul3A_269 = vector.broadcast %convert_element_type3A_61 : vector<928x1xf32> to vector<928x16xf32>
    %mul3A_270 = arith.mulf %slice3A_264, %mul3A_269 : vector<928x16xf32>
    %concatenate3A_271 = tpu.concatenate %mul3A_270, %convert_element_type3A_61 in 1 : vector<928x16xf32>, vector<928x1xf32> -> vector<928x17xf32>
    %convert_element_type3A_272 = arith.truncf %concatenate3A_271 : vector<928x17xf32> to vector<928x17xbf16>
    %dot_general3A_273 = arith.constant dense<0.000000e+00> : vector<928x17xf32>
    %dot_general3A_274 = tpu.matmul %convert_element_type3A_268, %convert_element_type3A_272, %dot_general3A_273 {dimension_numbers = #tpu.dot_dimension_numbers<[1], [0], [0], [1], [0, 0, 1, 1], [], []>, transpose_lhs_hint = false} : vector<928x928xbf16>, vector<928x17xbf16>, vector<928x17xf32> -> vector<928x17xf32>
    %slice3A_275 = vector.extract_strided_slice %dot_general3A_274 {offsets = [0, 0], sizes = [928, 16], strides = [1, 1]} : vector<928x17xf32> to vector<928x16xf32>
    %slice3A_276 = vector.extract_strided_slice %dot_general3A_274 {offsets = [0, 16], sizes = [928, 1], strides = [1, 1]} : vector<928x17xf32> to vector<928x1xf32>
    %div3A_277 = vector.broadcast %slice3A_276 : vector<928x1xf32> to vector<928x16xf32>
    %div3A_278 = arith.divf %slice3A_275, %div3A_277 : vector<928x16xf32>
    %slice3A_279 = vector.extract_strided_slice %dot_general3A_55 {offsets = [0, 176], sizes = [928, 16], strides = [1, 1]} : vector<928x576xf32> to vector<928x16xf32>
    %mul3A_280 = arith.constant 2.500000e-01 : f32
    %mul3A_281 = vector.broadcast %mul3A_280 : f32 to vector<928x16xf32>
    %mul3A_282 = arith.mulf %slice3A_279, %mul3A_281 : vector<928x16xf32>
    %slice3A_283 = vector.extract_strided_slice %dot_general3A_55 {offsets = [0, 368], sizes = [928, 16], strides = [1, 1]} : vector<928x576xf32> to vector<928x16xf32>
    %slice3A_284 = vector.extract_strided_slice %dot_general3A_55 {offsets = [0, 560], sizes = [928, 16], strides = [1, 1]} : vector<928x576xf32> to vector<928x16xf32>
    %dot_general3A_285 = arith.constant dense<0.000000e+00> : vector<928x928xf32>
    %dot_general3A_286 = tpu.matmul %mul3A_282, %slice3A_283, %dot_general3A_285 {dimension_numbers = #tpu.dot_dimension_numbers<[1], [1], [0], [0], [0, 0, 1, 0], [], []>, transpose_lhs_hint = false} : vector<928x16xf32>, vector<928x16xf32>, vector<928x928xf32> -> vector<928x928xf32>
    %exp3A_287 = math.exp %dot_general3A_286 : vector<928x928xf32>
    %convert_element_type3A_288 = arith.truncf %exp3A_287 : vector<928x928xf32> to vector<928x928xbf16>
    %mul3A_289 = vector.broadcast %convert_element_type3A_61 : vector<928x1xf32> to vector<928x16xf32>
    %mul3A_290 = arith.mulf %slice3A_284, %mul3A_289 : vector<928x16xf32>
    %concatenate3A_291 = tpu.concatenate %mul3A_290, %convert_element_type3A_61 in 1 : vector<928x16xf32>, vector<928x1xf32> -> vector<928x17xf32>
    %convert_element_type3A_292 = arith.truncf %concatenate3A_291 : vector<928x17xf32> to vector<928x17xbf16>
    %dot_general3A_293 = arith.constant dense<0.000000e+00> : vector<928x17xf32>
    %dot_general3A_294 = tpu.matmul %convert_element_type3A_288, %convert_element_type3A_292, %dot_general3A_293 {dimension_numbers = #tpu.dot_dimension_numbers<[1], [0], [0], [1], [0, 0, 1, 1], [], []>, transpose_lhs_hint = false} : vector<928x928xbf16>, vector<928x17xbf16>, vector<928x17xf32> -> vector<928x17xf32>
    %slice3A_295 = vector.extract_strided_slice %dot_general3A_294 {offsets = [0, 0], sizes = [928, 16], strides = [1, 1]} : vector<928x17xf32> to vector<928x16xf32>
    %slice3A_296 = vector.extract_strided_slice %dot_general3A_294 {offsets = [0, 16], sizes = [928, 1], strides = [1, 1]} : vector<928x17xf32> to vector<928x1xf32>
    %div3A_297 = vector.broadcast %slice3A_296 : vector<928x1xf32> to vector<928x16xf32>
    %div3A_298 = arith.divf %slice3A_295, %div3A_297 : vector<928x16xf32>
    %concatenate3A_299 = tpu.concatenate %div3A_78, %div3A_98, %div3A_118, %div3A_138, %div3A_158, %div3A_178, %div3A_198, %div3A_218, %div3A_238, %div3A_258, %div3A_278, %div3A_298 in 1 : vector<928x16xf32>, vector<928x16xf32>, vector<928x16xf32>, vector<928x16xf32>, vector<928x16xf32>, vector<928x16xf32>, vector<928x16xf32>, vector<928x16xf32>, vector<928x16xf32>, vector<928x16xf32>, vector<928x16xf32>, vector<928x16xf32> -> vector<928x192xf32>
    %get3A_300 = arith.constant 0 : index
    %get3A_301 = arith.constant 0 : index
    %get3A_302 = vector.load %arg4[%get3A_300, %get3A_301] : memref<192x192xf32, #tpu.memory_space<vmem>>, vector<192x192xf32>
    %dot_general3A_303 = arith.constant dense<0.000000e+00> : vector<928x192xf32>
    %dot_general3A_304 = tpu.matmul %concatenate3A_299, %get3A_302, %dot_general3A_303 {dimension_numbers = #tpu.dot_dimension_numbers<[1], [1], [0], [0], [0, 0, 1, 0], [], []>, transpose_lhs_hint = false} : vector<928x192xf32>, vector<192x192xf32>, vector<928x192xf32> -> vector<928x192xf32>
    %get3A_305 = arith.constant 0 : index
    %get3A_306 = arith.constant 0 : index
    %get3A_307 = vector.load %arg5[%get3A_305, %get3A_306] : memref<1x192xf32, #tpu.memory_space<vmem>>, vector<1x192xf32>
    %add3A_308 = vector.broadcast %get3A_307 : vector<1x192xf32> to vector<928x192xf32>
    %add3A_309 = arith.addf %dot_general3A_304, %add3A_308 : vector<928x192xf32>
    %add3A_310 = arith.addf %mul3A_27, %add3A_309 : vector<928x192xf32>
    %get3A_311 = arith.constant 0 : index
    %get3A_312 = arith.constant 0 : index
    %get3A_313 = vector.load %arg8[%get3A_311, %get3A_312] : memref<1x192xf32, #tpu.memory_space<vmem>>, vector<1x192xf32>
    %get3A_314 = arith.constant 0 : index
    %get3A_315 = arith.constant 0 : index
    %get3A_316 = vector.load %arg9[%get3A_314, %get3A_315] : memref<1x192xf32, #tpu.memory_space<vmem>>, vector<1x192xf32>
    %reduce_sum3A_317 = arith.constant dense<0.000000e+00> : vector<928xf32>
    %reduce_sum3A_318 = vector.multi_reduction <add>, %add3A_310, %reduce_sum3A_317 [1] : vector<928x192xf32> to vector<928xf32>
    %broadcast_in_dim3A_319 = vector.shape_cast %reduce_sum3A_318 : vector<928xf32> to vector<928x1xf32>
    %div3A_320 = arith.constant 1.920000e+02 : f32
    %div3A_321 = vector.broadcast %div3A_320 : f32 to vector<928x1xf32>
    %div3A_322 = arith.divf %broadcast_in_dim3A_319, %div3A_321 : vector<928x1xf32>
    %sub3A_323 = vector.broadcast %div3A_322 : vector<928x1xf32> to vector<928x192xf32>
    %sub3A_324 = arith.subf %add3A_310, %sub3A_323 : vector<928x192xf32>
    %square3A_325 = arith.mulf %sub3A_324, %sub3A_324 : vector<928x192xf32>
    %reduce_sum3A_326 = arith.constant dense<0.000000e+00> : vector<928xf32>
    %reduce_sum3A_327 = vector.multi_reduction <add>, %square3A_325, %reduce_sum3A_326 [1] : vector<928x192xf32> to vector<928xf32>
    %broadcast_in_dim3A_328 = vector.shape_cast %reduce_sum3A_327 : vector<928xf32> to vector<928x1xf32>
    %div3A_329 = arith.constant 1.920000e+02 : f32
    %div3A_330 = vector.broadcast %div3A_329 : f32 to vector<928x1xf32>
    %div3A_331 = arith.divf %broadcast_in_dim3A_328, %div3A_330 : vector<928x1xf32>
    %sub3A_332 = vector.broadcast %div3A_322 : vector<928x1xf32> to vector<928x192xf32>
    %sub3A_333 = arith.subf %add3A_310, %sub3A_332 : vector<928x192xf32>
    %add3A_334 = arith.constant 9.99999974E-6 : f32
    %add3A_335 = vector.broadcast %add3A_334 : f32 to vector<928x1xf32>
    %add3A_336 = arith.addf %div3A_331, %add3A_335 : vector<928x1xf32>
    %sqrt3A_337 = math.sqrt %add3A_336 : vector<928x1xf32>
    %div3A_338 = vector.broadcast %sqrt3A_337 : vector<928x1xf32> to vector<928x192xf32>
    %div3A_339 = arith.divf %sub3A_333, %div3A_338 : vector<928x192xf32>
    %mul3A_340 = vector.broadcast %get3A_313 : vector<1x192xf32> to vector<928x192xf32>
    %mul3A_341 = arith.mulf %div3A_339, %mul3A_340 : vector<928x192xf32>
    %add3A_342 = vector.broadcast %get3A_316 : vector<1x192xf32> to vector<928x192xf32>
    %add3A_343 = arith.addf %mul3A_341, %add3A_342 : vector<928x192xf32>
    %get3A_344 = arith.constant 0 : index
    %get3A_345 = arith.constant 0 : index
    %get3A_346 = vector.load %arg10[%get3A_344, %get3A_345] : memref<768x192xf32, #tpu.memory_space<vmem>>, vector<768x192xf32>
    %dot_general3A_347 = arith.constant dense<0.000000e+00> : vector<928x768xf32>
    %dot_general3A_348 = tpu.matmul %add3A_343, %get3A_346, %dot_general3A_347 {dimension_numbers = #tpu.dot_dimension_numbers<[1], [1], [0], [0], [0, 0, 1, 0], [], []>, transpose_lhs_hint = false} : vector<928x192xf32>, vector<768x192xf32>, vector<928x768xf32> -> vector<928x768xf32>
    %get3A_349 = arith.constant 0 : index
    %get3A_350 = arith.constant 0 : index
    %get3A_351 = vector.load %arg11[%get3A_349, %get3A_350] : memref<1x768xf32, #tpu.memory_space<vmem>>, vector<1x768xf32>
    %add3A_352 = vector.broadcast %get3A_351 : vector<1x768xf32> to vector<928x768xf32>
    %add3A_353 = arith.addf %dot_general3A_348, %add3A_352 : vector<928x768xf32>
    %mul3A_354 = arith.constant 5.000000e-01 : f32
    %mul3A_355 = vector.broadcast %mul3A_354 : f32 to vector<928x768xf32>
    %mul3A_356 = arith.mulf %mul3A_355, %add3A_353 : vector<928x768xf32>
    %mul3A_357 = arith.constant 0.707106769 : f32
    %mul3A_358 = vector.broadcast %mul3A_357 : f32 to vector<928x768xf32>
    %mul3A_359 = arith.mulf %add3A_353, %mul3A_358 : vector<928x768xf32>
    %erf3A = math.erf %mul3A_359 : vector<928x768xf32>
    %add3A_360 = arith.constant 1.000000e+00 : f32
    %add3A_361 = vector.broadcast %add3A_360 : f32 to vector<928x768xf32>
    %add3A_362 = arith.addf %add3A_361, %erf3A : vector<928x768xf32>
    %mul3A_363 = arith.mulf %mul3A_356, %add3A_362 : vector<928x768xf32>
    %get3A_364 = arith.constant 0 : index
    %get3A_365 = arith.constant 0 : index
    %get3A_366 = vector.load %arg12[%get3A_364, %get3A_365] : memref<192x768xf32, #tpu.memory_space<vmem>>, vector<192x768xf32>
    %dot_general3A_367 = arith.constant dense<0.000000e+00> : vector<928x192xf32>
    %dot_general3A_368 = tpu.matmul %mul3A_363, %get3A_366, %dot_general3A_367 {dimension_numbers = #tpu.dot_dimension_numbers<[1], [1], [0], [0], [0, 0, 1, 0], [], []>, transpose_lhs_hint = false} : vector<928x768xf32>, vector<192x768xf32>, vector<928x192xf32> -> vector<928x192xf32>
    %get3A_369 = arith.constant 0 : index
    %get3A_370 = arith.constant 0 : index
    %get3A_371 = vector.load %arg13[%get3A_369, %get3A_370] : memref<1x192xf32, #tpu.memory_space<vmem>>, vector<1x192xf32>
    %add3A_372 = vector.broadcast %get3A_371 : vector<1x192xf32> to vector<928x192xf32>
    %add3A_373 = arith.addf %dot_general3A_368, %add3A_372 : vector<928x192xf32>
    %add3A_374 = arith.addf %add3A_310, %add3A_373 : vector<928x192xf32>
    %slice3A_375 = vector.extract_strided_slice %add3A_374 {offsets = [0, 0], sizes = [922, 192], strides = [1, 1]} : vector<928x192xf32> to vector<922x192xf32>
    %swap3A = arith.constant 0 : index
    %swap3A_376 = arith.constant 0 : index
    %swap3A_377 = arith.constant 0 : index
    %swap3A_378 = vector.load %arg14[%swap3A, %swap3A_376, %swap3A_377] : memref<1x922x192xf32, #tpu.memory_space<vmem>>, vector<1x922x192xf32>
    %swap3A_379 = vector.shape_cast %swap3A_378 : vector<1x922x192xf32> to vector<922x192xf32>
    %swap3A_380 = vector.shape_cast %slice3A_375 : vector<922x192xf32> to vector<1x922x192xf32>
    tpu.vector_store %arg14[%swap3A, %swap3A_376, %swap3A_377], %swap3A_380 {strides = array<i32>} : memref<1x922x192xf32, #tpu.memory_space<vmem>>, vector<1x922x192xf32>,
    return
  }
  func.func @transform_0(%arg0: i32) -> (i32, i32, i32) {
    %c0_i32 = arith.constant 0 : i32
    %c0_i32_0 = arith.constant 0 : i32
    %c0_i32_1 = arith.constant 0 : i32
    return %arg0, %c0_i32, %c0_i32_0 : i32, i32, i32
  }
  func.func @transform_1(%arg0: i32) -> (i32, i32, i32) {
    %c0_i32 = arith.constant 0 : i32
    %c0_i32_0 = arith.constant 0 : i32
    %c0_i32_1 = arith.constant 0 : i32
    return %arg0, %c0_i32, %c0_i32_0 : i32, i32, i32
  }
  func.func @transform_2(%arg0: i32) -> (i32, i32) {
    %c0_i32 = arith.constant 0 : i32
    %c0_i32_0 = arith.constant 0 : i32
    %c0_i32_1 = arith.constant 0 : i32
    return %c0_i32, %c0_i32_0 : i32, i32
  }
  func.func @transform_3(%arg0: i32) -> (i32, i32) {
    %c0_i32 = arith.constant 0 : i32
    %c0_i32_0 = arith.constant 0 : i32
    %c0_i32_1 = arith.constant 0 : i32
    return %c0_i32, %c0_i32_0 : i32, i32
  }
  func.func @transform_4(%arg0: i32) -> (i32, i32) {
    %c0_i32 = arith.constant 0 : i32
    %c0_i32_0 = arith.constant 0 : i32
    %c0_i32_1 = arith.constant 0 : i32
    return %c0_i32, %c0_i32_0 : i32, i32
  }
  func.func @transform_5(%arg0: i32) -> (i32, i32) {
    %c0_i32 = arith.constant 0 : i32
    %c0_i32_0 = arith.constant 0 : i32
    %c0_i32_1 = arith.constant 0 : i32
    return %c0_i32, %c0_i32_0 : i32, i32
  }
  func.func @transform_6(%arg0: i32) -> (i32, i32) {
    %c0_i32 = arith.constant 0 : i32
    %c0_i32_0 = arith.constant 0 : i32
    %c0_i32_1 = arith.constant 0 : i32
    return %c0_i32, %c0_i32_0 : i32, i32
  }
  func.func @transform_7(%arg0: i32) -> (i32, i32) {
    %c0_i32 = arith.constant 0 : i32
    %c0_i32_0 = arith.constant 0 : i32
    %c0_i32_1 = arith.constant 0 : i32
    return %c0_i32, %c0_i32_0 : i32, i32
  }
  func.func @transform_8(%arg0: i32) -> (i32, i32) {
    %c0_i32 = arith.constant 0 : i32
    %c0_i32_0 = arith.constant 0 : i32
    %c0_i32_1 = arith.constant 0 : i32
    return %c0_i32, %c0_i32_0 : i32, i32
  }
  func.func @transform_9(%arg0: i32) -> (i32, i32) {
    %c0_i32 = arith.constant 0 : i32
    %c0_i32_0 = arith.constant 0 : i32
    %c0_i32_1 = arith.constant 0 : i32
    return %c0_i32, %c0_i32_0 : i32, i32
  }
  func.func @transform_10(%arg0: i32) -> (i32, i32) {
    %c0_i32 = arith.constant 0 : i32
    %c0_i32_0 = arith.constant 0 : i32
    %c0_i32_1 = arith.constant 0 : i32
    return %c0_i32, %c0_i32_0 : i32, i32
  }
  func.func @transform_11(%arg0: i32) -> (i32, i32) {
    %c0_i32 = arith.constant 0 : i32
    %c0_i32_0 = arith.constant 0 : i32
    %c0_i32_1 = arith.constant 0 : i32
    return %c0_i32, %c0_i32_0 : i32, i32
  }
  func.func @transform_12(%arg0: i32) -> (i32, i32) {
    %c0_i32 = arith.constant 0 : i32
    %c0_i32_0 = arith.constant 0 : i32
    %c0_i32_1 = arith.constant 0 : i32
    return %c0_i32, %c0_i32_0 : i32, i32
  }
  func.func @transform_13(%arg0: i32) -> (i32, i32, i32) {
    %c0_i32 = arith.constant 0 : i32
    %c0_i32_0 = arith.constant 0 : i32
    %c0_i32_1 = arith.constant 0 : i32
    return %arg0, %c0_i32, %c0_i32_0 : i32, i32, i32
  }
}

</mosaic_0001>

<sc_bundles>
// kernel: kernel.5.cloned.1.call-start
scs
__scs_entry_jumppad:
0x0: {  	(pc) =	sbr.rel $0x88, $3  }
0x1: {  	(tag) =	ssettag $0x0;
	lr =	simm.s32 $0x1  }
0x2: {  	[smem:$0x3F95] =	sst lr;
	_ =	strace $0xD0000000  }
0x3: {  	_ = 	snop  }
0x4: {  	_ = 	snop  }
0x5: {  	_ = 	snop  }
0x6: {  	_ = 	snop  }
0x7: {  	_ = 	snop  }
__scs_overlays_trampoline_lowered:
0x8: {  	[smem:$0x3FA4] =	sst s0  }
0x9: {  	[smem:$0x3FA5] =	sst s1  }
0xa: {  	[smem:$0x3FA6] =	sst s2  }
0xb: {  	[smem:$0x3FA7] =	sst s3  }
0xc: {  	[smem:$0x3FA8] =	sst s4  }
0xd: {  	[smem:$0x3FA9] =	sst s5  }
0xe: {  	[smem:$0x3FAA] =	sst s6  }
0xf: {  	[smem:$0x3FAB] =	sst s7  }
0x10: {  	[smem:$0x3FAC] =	sst s8  }
0x11: {  	[smem:$0x3FAD] =	sst s9;
	s0 =	simm.s32 @!p0 $0x0  }
0x12: {  	s1 =	sld [smem:$0x3F93];
	s0 =	simm.s32 @p0 $0x1  }
0x13: {  	[smem:$0x3FAE] =	sst s0;
	s0 =	simm.s32 @!p1 $0x0  }
0x14: {  	s2 =	sld [smem:$0x3F92];
	s0 =	simm.s32 @p1 $0x1  }
0x15: {  	[smem:$0x3FAF] =	sst s0;
	s0 =	simm.s32 @!p2 $0x0  }
0x16: {  	s3 =	sld [smem:$0x3FDB];
	s0 =	simm.s32 @p2 $0x1  }
0x17: {  	s4 =	simm.s32 $0x1BF5;
	[smem:$0x3FB1] =	sst s0  }
0x18: {  	s0 =	sld [smem:$0x3F94];
	_ =	swait.ge [sflag:s4], $0x0  }
0x19: {  	s7 =	sld [smem:$0x3F95]  }
0x1a: {  	s8 =	sadd.s32 $0xFFFFE003, lr  }
0x1b: {  	s9 =	sadd.s32 $0xFFFFFEF7, lr;
	s5 =	simm.s32 $0xFFFFFFFF;
	p2 =	slt.u32 s8, $0xFFFFF086  }
0x1c: {  	p1 =	slt.u32 s9, $0xF7A;
	s5 =	simm.s32 @!p2 $0x0  }
0x1d: {  	s5 =	simm.s32 @p1 $0x1;
	p0 =	seq.s32 s7, s2  }
0x1e: {  	s7 =	smul.u32 @!p0 $0xF7A, s2;
	p2 =	seq.s32 @!p0 s5, $0x0  }
0x1f: {  	s9 =	smul.u32 $0xF7A, s1;
	s8 =	simm.s32 @!p0 $0x1BF5;
	p2 =	por !p2, p0  }
0x20: {  	[sflag:s8] =	ssyncset.s32 @!p0 $0xFFFFF086;
	s6 =	sadd.s32 @!p0 s3, s7;
	s7 =	simm.s32 @!p0 $0x108  }
0x21: {  	s3 =	sadd.s32 s3, s9;
	s6 =	sadd.s32 @!p0 $0x88, s6;
	s7 =	simm.s32 @p2 $0x1082  }
0x22: {  	[simem:s7], [sflag:s8] =	dma.local @!p0 [hbm:s6], $0xF7A  }
0x23: {  	s9 =	sor.u32 $0xD0000000, s2;
	s6 =	simm.s32 $0x108;
	_ =	swait.ge @!p0 [sflag:s8], $0x0  }
0x24: {  	s3 =	sadd.s32 $0x88, s3;
	s6 =	simm.s32 @!p1 $0x1082;
	[sflag:s4] =	ssyncset.s32 $0xFFFFF086  }
0x25: {  	[simem:s6], [sflag:s4] =	dma.local [hbm:s3], $0xF7A  }
0x26: {  	[smem:$0x3F95] =	sst s1;
	(tag) =	ssettag s2;
	_ =	strace s9  }
0x27: {  	s1 =	sld [smem:$0x3FA5]  }
0x28: {  	s2 =	sld [smem:$0x3FA6]  }
0x29: {  	s4 =	sld [smem:$0x3FA8]  }
0x2a: {  	p0 =	seq.s32 s5, $0x0;
	s5 =	sld [smem:$0x3FA9]  }
0x2b: {  	s6 =	sld [smem:$0x3FAA]  }
0x2c: {  	s7 =	sld [smem:$0x3FAB]  }
0x2d: {  	s3 =	simm.s32 $0x108;
	s8 =	sld [smem:$0x3FAC]  }
0x2e: {  	s3 =	simm.s32 @!p0 $0x1082;
	s9 =	sld [smem:$0x3FAD]  }
0x2f: {  	lr =	sadd.s32 s0, s3;
	s0 =	sld [smem:$0x3FA4]  }
0x30: {  	s3 =	sld [smem:$0x3FA7]  }
0x31: {  	[smem:$0x3FB0] =	sst s10  }
0x32: {  	s10 =	sld [smem:$0x3FAE];
	_ =	sdelay $0x3  }
0x33: {  	p0 =	seq.s32 s10, $0x1;
	s10 =	sld [smem:$0x3FB0];
	_ =	sdelay $0x3  }
0x34: {  	[smem:$0x3FB0] =	sst s10  }
0x35: {  	s10 =	sld [smem:$0x3FAF];
	_ =	sdelay $0x3  }
0x36: {  	p1 =	seq.s32 s10, $0x1;
	s10 =	sld [smem:$0x3FB0];
	_ =	sdelay $0x3  }
0x37: {  	[smem:$0x3FB0] =	sst s10  }
0x38: {  	s10 =	sld [smem:$0x3FB1]  }
0x39: {  	_ = 	snop;
	(pc) =	sbr.ind lr, $3  }
0x3a: {  	_ = 	snop  }
0x3b: {  	_ = 	snop  }
0x3c: {  	p2 =	seq.s32 s10, $0x1;
	s10 =	sld [smem:$0x3FB0]  }
0x3d: {  	_ =	shalt  }
0x3e: {  	_ =	shalt  }
0x3f: {  	_ =	shalt  }
0x40: {  	_ =	shalt  }
0x41: {  	_ =	shalt  }
0x42: {  	_ =	shalt  }
0x43: {  	_ =	shalt  }
0x44: {  	_ =	shalt  }
0x45: {  	_ =	shalt  }
0x46: {  	_ =	shalt  }
0x47: {  	_ =	shalt  }
0x48: {  	_ =	shalt  }
0x49: {  	_ =	shalt  }
0x4a: {  	_ =	shalt  }
0x4b: {  	_ =	shalt  }
0x4c: {  	_ =	shalt  }
0x4d: {  	_ =	shalt  }
0x4e: {  	_ =	shalt  }
0x4f: {  	_ =	shalt  }
0x50: {  	_ =	shalt  }
0x51: {  	_ =	shalt  }
0x52: {  	_ =	shalt  }
0x53: {  	_ =	shalt  }
0x54: {  	_ =	shalt  }
0x55: {  	_ =	shalt  }
0x56: {  	_ =	shalt  }
0x57: {  	_ =	shalt  }
0x58: {  	_ =	shalt  }
0x59: {  	_ =	shalt  }
0x5a: {  	_ =	shalt  }
0x5b: {  	_ =	shalt  }
0x5c: {  	_ =	shalt  }
0x5d: {  	_ =	shalt  }
0x5e: {  	_ =	shalt  }
0x5f: {  	_ =	shalt  }
0x60: {  	_ =	shalt  }
0x61: {  	_ =	shalt  }
0x62: {  	_ =	shalt  }
0x63: {  	_ =	shalt  }
0x64: {  	_ =	shalt  }
0x65: {  	_ =	shalt  }
0x66: {  	_ =	shalt  }
0x67: {  	_ =	shalt  }
0x68: {  	_ =	shalt  }
0x69: {  	_ =	shalt  }
0x6a: {  	_ =	shalt  }
0x6b: {  	_ =	shalt  }
0x6c: {  	_ =	shalt  }
0x6d: {  	_ =	shalt  }
0x6e: {  	_ =	shalt  }
0x6f: {  	_ =	shalt  }
0x70: {  	_ =	shalt  }
0x71: {  	_ =	shalt  }
0x72: {  	_ =	shalt  }
0x73: {  	_ =	shalt  }
0x74: {  	_ =	shalt  }
0x75: {  	_ =	shalt  }
0x76: {  	_ =	shalt  }
0x77: {  	_ =	shalt  }
0x78: {  	_ =	shalt  }
0x79: {  	_ =	shalt  }
0x7a: {  	_ =	shalt  }
0x7b: {  	_ =	shalt  }
0x7c: {  	_ =	shalt  }
0x7d: {  	_ =	shalt  }
0x7e: {  	_ =	shalt  }
0x7f: {  	_ =	shalt  }
0x80: {  	_ =	shalt  }
0x81: {  	_ =	shalt  }
0x82: {  	_ =	shalt  }
0x83: {  	_ =	shalt  }
0x84: {  	_ =	shalt  }
0x85: {  	_ =	shalt  }
0x86: {  	_ =	shalt  }
0x87: {  	_ =	shalt  }
.Lfunc_end0:
.L_simem_size_0:
called_computation_lowered:
.L_overlay_start_0:
0x88: {  	s2 =	sld [smem:$0x3FD9]  }
0x89: {  	s3 =	sld [smem:$0x3FFE];
	_ =	sdelay $0x1  }
0x8a: {  	s1 =	srdreg.scid  }
0x8b: {  	s0 =	sand.u32 $0x1, s1  }
0x8c: {  	s17 =	sshll.u32 s0, $0xA;
	s2 =	sadd.s32 s3, s2  }
0x8d: {  	s2 =	sadd.s32 s2, s17  }
0x8e: {  	[smem:$0x3FBC] =	sst s2  }
0x8f: {  	_ = 	snop  }
0x90: {  	s2 =	sld [smem:$0x3FD0];
	(tm) =	ssettm $0x1  }
0x91: {  	s18 =	sld [smem:$0x3FFB];
	_ =	sdelay $0x3  }
0x92: {  	_ =	strace s18  }
0x93: {  	s3 =	sld [smem:$0x3FFC];
	_ =	sdelay $0x3  }
0x94: {  	_ =	strace s3  }
0x95: {  	s3 =	sld [smem:$0x3FFD];
	_ =	sdelay $0x3  }
0x96: {  	_ =	strace s3  }
0x97: {  	_ =	strace $0x8FFFFFFF  }
0x98: {  	s19 =	sld [smem:$0x3FDB];
	_ =	sdelay $0x1  }
0x99: {  	s4 =	simm.s32 $_scs_section_size  }
0x9a: {  	s5 =	simm.s32 $_size__tile_overlayer_lowered;
	s6 =	simm.s32 $_tile_overlayer_lowered  }
0x9b: {  	s22 =	simm.s32 $0x1BFF;
	s21 =	sshll.u32 s6, $0x1;
	s3 =	sadd.s32 s4, s19  }
0x9c: {  	s7 =	simm.s32 $0x0;
	s20 =	sshll.u32 s5, $0x1;
	s5 =	sadd.s32 s21, s3  }
0x9d: {  	[timem:s7], [sflag:s22] =	dma.local [hbm:s5], s20  }
0x9e: {  	_ =	swait.ge [sflag:s22], s20  }
0x9f: {  	s4 =	ssub.s32 $0x0, s20;
	[sflag:s22] =	ssyncset.done $0x0  }
0xa0: {  	[sflag:s22] =	ssyncadd.s32 s4;
	_ =	sdelay $0x1  }
0xa1: {  	s23 =	simm.s32 $0x1B8B  }
0xa2: {  	_ =	swait.ge [sflag:s23], $0x1  }
0xa3: {  	[sflag:s23] =	ssyncset.done $0x0  }
0xa4: {  	s25 =	simm.s32 $0x1B8E;
	s24 =	sld [smem:$0x3FFE];
	[sflag:s23] =	ssyncadd.s32 $0xFFFFFFFF  }
0xa5: {  	s26 =	simm.s32 $execute0_lowered;
	[smem:$0x3FD2] =	sst s25  }
0xa6: {  	s5 =	sshll.u32 s26, $0x1;
	_ =	strace $0x80000046;
	[dreg:$0x1] =	wrdreg $0xFFFFFFFF  }
0xa7: {  	s28 =	simm.s32 $_size_execute0_lowered;
	s3 =	sadd.s32 s3, s5;
	[dreg:$0x0] =	wrdreg $0x0  }
0xa8: {  	s5 =	sshll.u32 s28, $0x1;
	[dreg:$0x2] =	wrdreg s3  }
0xa9: {  	[dreg:$0x3] =	wrdreg s5  }
0xaa: {  	[dreg:$0x4] =	wrdreg $0xC0  }
0xab: {  	_ =	task [dreg:s7], $0x5FFFF  }
0xac: {  	[dreg:$0x1] =	wrdreg $0xFFFFFFFF  }
0xad: {  	[dreg:$0x0] =	wrdreg $0x60  }
0xae: {  	[dreg:$0x2] =	wrdreg s24  }
0xaf: {  	[dreg:$0x3] =	wrdreg s2  }
0xb0: {  	[dreg:$0x4] =	wrdreg $0x9  }
0xb1: {  	_ =	task.clear_ibuf [dreg:s7], $0x5FFFF;
	_ =	strace $0x90000046  }
0xb2: {  	s29 =	simm.s32 $0x9;
	_ =	strace $0x80000048  }
0xb3: {  	_ =	swait.ge [sflag:s29], $0x1  }
0xb4: {  	[sflag:s29] =	ssyncadd.s32 $0xFFFFFFFF  }
0xb5: {  	_ =	strace $0x90000048  }
0xb6: {  	_ =	sfence  }
0xb7: {  	s30 =	sld [smem:$0x0];
	_ =	sdelay $0x2  }
0xb8: {  	s31 =	sshll.u32 s1, $0xD;
	s1 =	sshrl.u32 s1, $0x2  }
0xb9: {  	s3 =	sand.u32 $0x4000, s31;
	s1 =	sadd.s32 s1, s30  }
0xba: {  	s0 =	sor.u32 s3, s0;
	s1 =	sshll.u32 s1, $0x11  }
0xbb: {  	s0 =	sor.u32 s1, s0  }
0xbc: {  	s0 =	sadd.s32 $0x8F2B, s0  }
0xbd: {  	[sflag:s0] =	ssyncadd.remote.s32 $0x1  }
0xbe: {  	_ =	sfence.sel $0xFFFF  }
0xbf: {  	[dreg:$0x0] =	wrdreg $0xFFFFFFFF;
	(pc) =	sbr.abs _section_cstart, $3  }
0xc0: {  	[dreg:$0x1] =	wrdreg $0xFFFFFFFF  }
0xc1: {  	_ =	task.clear_ibuf [dreg:s7], $0x2FFFF;
	_ =	strace $0x9FFFFFFF  }
0xc2: {  	(tm) =	ssettm $0x7FFFFFFF  }
0xc3: {  	_ =	shalt  }
tec
execute0_lowered:
.L_overlay_start_1:
0x0: {  	(tag) =	ssettag $0x1  }
0x1: {  	s1 =	srdreg.scid  }
0x2: {  	s3 =	rddreg [dreg:$0x0];
	s0 =	stileid.u32  }
0x3: {  	s4 =	rddreg [dreg:$0x1];
	s2 =	simm.s32 $0x0;
	s19 =	simm.s32 $0x900  }
0x4: {  	s20 =	simm.s32 $0x1100;
	s21 =	simm.s32 $0x1900;
	s23 =	simm.s32 $0x2100  }
0x5: {  	s24 =	simm.s32 $0x2900;
	s25 =	simm.s32 $0x3100;
	s26 =	simm.s32 $0x3900  }
0x6: {  	s8 =	simm.s32 $0x4900;
	s9 =	simm.s32 $0x5100;
	s10 =	simm.s32 $0x5900  }
0x7: {  	s11 =	simm.s32 $0x6100;
	s12 =	simm.s32 $0x6900;
	[smem:$0x7FF] =	sst s2  }
0x8: {  	s13 =	simm.s32 $0x7100;
	_ =	strace $0x80000047;
	[dreg:$0x5] =	wrdreg s19  }
0x9: {  	s14 =	simm.s32 $0x7900;
	s15 =	simm.s32 $0x8100;
	[dreg:$0x6] =	wrdreg s20  }
0xa: {  	s16 =	simm.s32 $0x8900;
	s17 =	simm.s32 $0x9100;
	[dreg:$0x7] =	wrdreg s21  }
0xb: {  	s28 =	simm.s32 $0xE100;
	s29 =	simm.s32 $0xE900;
	[dreg:$0x8] =	wrdreg s23  }
0xc: {  	s30 =	simm.s32 $0xF100;
	s31 =	simm.s32 $0xF900;
	[dreg:$0x9] =	wrdreg s24  }
0xd: {  	s1 =	sand.u32 $0x1, s1;
	s5 =	sshll.u32 s0, $0x9;
	[dreg:$0xa] =	wrdreg s25  }
0xe: {  	s6 =	sshll.u32 s1, $0x8;
	s1 =	ssub.s32 $0x2, s1;
	[dreg:$0xb] =	wrdreg s26  }
0xf: {  	s19 =	simm.s32 $0xA100;
	s20 =	simm.s32 $0xA900;
	s21 =	simm.s32 $0xB100  }
0x10: {  	s23 =	simm.s32 $0xC100;
	s24 =	simm.s32 $0xC900;
	s25 =	simm.s32 $0xD100  }
0x11: {  	s26 =	simm.s32 $0xD900;
	s5 =	sor.u32 s6, s5;
	s22 =	sshrl.u32 s1, $0x1  }
0x12: {  	s6 =	sshll.u32 s5, $0x5;
	s5 =	sshrl.u32 s5, $0x3;
	s1 =	ssub.s32 s1, s22  }
0x13: {  	s22 =	simm.s32 $0xB900;
	s6 =	sadd.s32 s6, s3;
	s4 =	sadd.s32 s4, s5  }
0x14: {  	v2 =	vlaneseq.u32;
	s3 =	sadd.s32 $0x1A00, s3;
	s5 =	simm.s32 $0x2;
	[dreg:$0x3] =	wrdreg s4  }
0x15: {  	vm0 =	vmmov $0xffff;
	v1 =	vshrl.u32 v2, $0x3;
	s18 =	sadd.s32 $0x41A00, s6;
	s4 =	smax.u32 s1, $0x1;
	s6 =	simm.s32 $0x100  }
0x16: {  	v0 =	vand.u32 $0x7, v2;
	v2 =	vor.u32 $0x8, v2;
	v1 =	vmul.u32 $0x8, v1;
	s1 =	simm.s32 $0x1;
	[dreg:$0x4] =	wrdreg s18;
	s18 =	simm.s32 $0x9900  }
.LBB2_1:
0x17: {  	s0 =	rddreg [dreg:$0x3]  }
0x18: {  	[tilespmem:s2], [sflag:$0x2] =	stream.linear.gather [hbm4b:s0+s2], $0x100, $0x38;
	[tilespmem:$0x10100] =	vst v63  }
0x19: {  	_ =	swait.ge [sflag:s5], $0x100  }
0x1a: {  	[sflag:s5] =	ssyncset.done $0x0  }
0x1b: {  	[sflag:s5] =	ssyncadd.s32 $0xFFFFFF00  }
0x1c: {  	v3 =	vld [tilespmem:$0x0];
	_ =	sdelay $0x4  }
0x1d: {  	v4 =	vshll.u32 v3, $0x1  }
0x1e: {  	v3 =	vand.u32 $0x7, v3;
	v4 =	vand.u32 $0xFFFFFFF0, v4  }
0x1f: {  	v3 =	vor.u32 v3, v4  }
0x20: {  	v4 =	vperm.xlane v3, v0;
	_ =	sdelay $0x1  }
0x21: {  	v3 =	vperm.xlane v3, v2;
	v4 =	vadd.s32 v1, v4;
	_ =	sdelay $0x1  }
0x22: {  	v3 =	vadd.s32 v1, v3;
	_ =	sdelay $0x2  }
0x23: {  	[tilespmem:s6], [sflag:$0x1] =	stream.indirect_vreg.gather [hbm4b:s3+s2], $0x80, v4, vm0, $0xb8;
	[tilespmem:$0x10100] =	vst v63  }
0x24: {  	s7 =	rddreg [dreg:$0x5]  }
0x25: {  	[tilespmem:s7], [sflag:$0x1] =	stream.indirect_vreg.gather [hbm4b:s3+s2], $0x80, v3, vm0, $0xb8;
	[tilespmem:$0x10100] =	vst v63  }
0x26: {  	v3 =	vld [tilespmem:$0x10];
	_ =	sdelay $0x4  }
0x27: {  	v49 =	vshll.u32 v3, $0x1  }
0x28: {  	v3 =	vand.u32 $0x7, v3;
	v4 =	vand.u32 $0xFFFFFFF0, v49  }
0x29: {  	v3 =	vor.u32 v3, v4  }
0x2a: {  	v4 =	vperm.xlane v3, v0;
	_ =	sdelay $0x1  }
0x2b: {  	v3 =	vperm.xlane v3, v2;
	v4 =	vadd.s32 v1, v4;
	_ =	sdelay $0x1  }
0x2c: {  	v3 =	vadd.s32 v1, v3;
	_ =	sdelay $0x1  }
0x2d: {  	s0 =	rddreg [dreg:$0x6]  }
0x2e: {  	[tilespmem:s0], [sflag:$0x1] =	stream.indirect_vreg.gather [hbm4b:s3+s2], $0x80, v4, vm0, $0xb8;
	[tilespmem:$0x10100] =	vst v63  }
0x2f: {  	s7 =	rddreg [dreg:$0x7]  }
0x30: {  	[tilespmem:s7], [sflag:$0x1] =	stream.indirect_vreg.gather [hbm4b:s3+s2], $0x80, v3, vm0, $0xb8;
	[tilespmem:$0x10100] =	vst v63  }
0x31: {  	v3 =	vld [tilespmem:$0x20];
	_ =	sdelay $0x4  }
0x32: {  	v50 =	vshll.u32 v3, $0x1  }
0x33: {  	v3 =	vand.u32 $0x7, v3;
	v4 =	vand.u32 $0xFFFFFFF0, v50  }
0x34: {  	v3 =	vor.u32 v3, v4  }
0x35: {  	v4 =	vperm.xlane v3, v0;
	_ =	sdelay $0x1  }
0x36: {  	v3 =	vperm.xlane v3, v2;
	v4 =	vadd.s32 v1, v4;
	_ =	sdelay $0x1  }
0x37: {  	v3 =	vadd.s32 v1, v3;
	_ =	sdelay $0x1  }
0x38: {  	s0 =	rddreg [dreg:$0x8]  }
0x39: {  	[tilespmem:s0], [sflag:$0x1] =	stream.indirect_vreg.gather [hbm4b:s3+s2], $0x80, v4, vm0, $0xb8;
	[tilespmem:$0x10100] =	vst v63  }
0x3a: {  	s7 =	rddreg [dreg:$0x9]  }
0x3b: {  	[tilespmem:s7], [sflag:$0x1] =	stream.indirect_vreg.gather [hbm4b:s3+s2], $0x80, v3, vm0, $0xb8;
	[tilespmem:$0x10100] =	vst v63  }
0x3c: {  	v3 =	vld [tilespmem:$0x30];
	_ =	sdelay $0x4  }
0x3d: {  	v51 =	vshll.u32 v3, $0x1  }
0x3e: {  	v3 =	vand.u32 $0x7, v3;
	v4 =	vand.u32 $0xFFFFFFF0, v51  }
0x3f: {  	v3 =	vor.u32 v3, v4  }
0x40: {  	v4 =	vperm.xlane v3, v0;
	_ =	sdelay $0x1  }
0x41: {  	v3 =	vperm.xlane v3, v2;
	v4 =	vadd.s32 v1, v4;
	_ =	sdelay $0x1  }
0x42: {  	v3 =	vadd.s32 v1, v3;
	_ =	sdelay $0x1  }
0x43: {  	s0 =	rddreg [dreg:$0xa]  }
0x44: {  	[tilespmem:s0], [sflag:$0x1] =	stream.indirect_vreg.gather [hbm4b:s3+s2], $0x80, v4, vm0, $0xb8;
	[tilespmem:$0x10100] =	vst v63  }
0x45: {  	s7 =	rddreg [dreg:$0xb]  }
0x46: {  	[tilespmem:s7], [sflag:$0x1] =	stream.indirect_vreg.gather [hbm4b:s3+s2], $0x80, v3, vm0, $0xb8;
	[tilespmem:$0x10100] =	vst v63  }
0x47: {  	v3 =	vld [tilespmem:$0x40];
	_ =	sdelay $0x4  }
0x48: {  	v52 =	vshll.u32 v3, $0x1  }
0x49: {  	v3 =	vand.u32 $0x7, v3;
	v4 =	vand.u32 $0xFFFFFFF0, v52  }
0x4a: {  	v3 =	vor.u32 v3, v4  }
0x4b: {  	v4 =	vperm.xlane v3, v0;
	_ =	sdelay $0x1  }
0x4c: {  	v3 =	vperm.xlane v3, v2;
	v4 =	vadd.s32 v1, v4;
	_ =	sdelay $0x1  }
0x4d: {  	v3 =	vadd.s32 v1, v3;
	_ =	sdelay $0x1  }
0x4e: {  	s7 =	simm.s32 $0x4100  }
0x4f: {  	[tilespmem:s7], [sflag:$0x1] =	stream.indirect_vreg.gather [hbm4b:s3+s2], $0x80, v4, vm0, $0xb8;
	[tilespmem:$0x10100] =	vst v63  }
0x50: {  	_ = 	snop  }
0x51: {  	[tilespmem:s8], [sflag:$0x1] =	stream.indirect_vreg.gather [hbm4b:s3+s2], $0x80, v3, vm0, $0xb8;
	[tilespmem:$0x10100] =	vst v63  }
0x52: {  	v3 =	vld [tilespmem:$0x50];
	_ =	sdelay $0x4  }
0x53: {  	v53 =	vshll.u32 v3, $0x1  }
0x54: {  	v3 =	vand.u32 $0x7, v3;
	v4 =	vand.u32 $0xFFFFFFF0, v53  }
0x55: {  	v3 =	vor.u32 v3, v4  }
0x56: {  	v4 =	vperm.xlane v3, v0;
	_ =	sdelay $0x1  }
0x57: {  	v3 =	vperm.xlane v3, v2;
	v4 =	vadd.s32 v1, v4;
	_ =	sdelay $0x1  }
0x58: {  	v3 =	vadd.s32 v1, v3;
	_ =	sdelay $0x2  }
0x59: {  	[tilespmem:s9], [sflag:$0x1] =	stream.indirect_vreg.gather [hbm4b:s3+s2], $0x80, v4, vm0, $0xb8;
	[tilespmem:$0x10100] =	vst v63  }
0x5a: {  	_ = 	snop  }
0x5b: {  	[tilespmem:s10], [sflag:$0x1] =	stream.indirect_vreg.gather [hbm4b:s3+s2], $0x80, v3, vm0, $0xb8;
	[tilespmem:$0x10100] =	vst v63  }
0x5c: {  	v3 =	vld [tilespmem:$0x60];
	_ =	sdelay $0x4  }
0x5d: {  	v54 =	vshll.u32 v3, $0x1  }
0x5e: {  	v3 =	vand.u32 $0x7, v3;
	v4 =	vand.u32 $0xFFFFFFF0, v54  }
0x5f: {  	v3 =	vor.u32 v3, v4  }
0x60: {  	v4 =	vperm.xlane v3, v0;
	_ =	sdelay $0x1  }
0x61: {  	v3 =	vperm.xlane v3, v2;
	v4 =	vadd.s32 v1, v4;
	_ =	sdelay $0x1  }
0x62: {  	v3 =	vadd.s32 v1, v3;
	_ =	sdelay $0x2  }
0x63: {  	[tilespmem:s11], [sflag:$0x1] =	stream.indirect_vreg.gather [hbm4b:s3+s2], $0x80, v4, vm0, $0xb8;
	[tilespmem:$0x10100] =	vst v63  }
0x64: {  	_ = 	snop  }
0x65: {  	[tilespmem:s12], [sflag:$0x1] =	stream.indirect_vreg.gather [hbm4b:s3+s2], $0x80, v3, vm0, $0xb8;
	[tilespmem:$0x10100] =	vst v63  }
0x66: {  	v3 =	vld [tilespmem:$0x70];
	_ =	sdelay $0x4  }
0x67: {  	v55 =	vshll.u32 v3, $0x1  }
0x68: {  	v3 =	vand.u32 $0x7, v3;
	v4 =	vand.u32 $0xFFFFFFF0, v55  }
0x69: {  	v3 =	vor.u32 v3, v4  }
0x6a: {  	v4 =	vperm.xlane v3, v0;
	_ =	sdelay $0x1  }
0x6b: {  	v3 =	vperm.xlane v3, v2;
	v4 =	vadd.s32 v1, v4;
	_ =	sdelay $0x1  }
0x6c: {  	v3 =	vadd.s32 v1, v3;
	_ =	sdelay $0x2  }
0x6d: {  	[tilespmem:s13], [sflag:$0x1] =	stream.indirect_vreg.gather [hbm4b:s3+s2], $0x80, v4, vm0, $0xb8;
	[tilespmem:$0x10100] =	vst v63  }
0x6e: {  	_ = 	snop  }
0x6f: {  	[tilespmem:s14], [sflag:$0x1] =	stream.indirect_vreg.gather [hbm4b:s3+s2], $0x80, v3, vm0, $0xb8;
	[tilespmem:$0x10100] =	vst v63  }
0x70: {  	v3 =	vld [tilespmem:$0x80];
	_ =	sdelay $0x4  }
0x71: {  	v56 =	vshll.u32 v3, $0x1  }
0x72: {  	v3 =	vand.u32 $0x7, v3;
	v4 =	vand.u32 $0xFFFFFFF0, v56  }
0x73: {  	v3 =	vor.u32 v3, v4  }
0x74: {  	v4 =	vperm.xlane v3, v0;
	_ =	sdelay $0x1  }
0x75: {  	v3 =	vperm.xlane v3, v2;
	v4 =	vadd.s32 v1, v4;
	_ =	sdelay $0x1  }
0x76: {  	v3 =	vadd.s32 v1, v3;
	_ =	sdelay $0x2  }
0x77: {  	[tilespmem:s15], [sflag:$0x1] =	stream.indirect_vreg.gather [hbm4b:s3+s2], $0x80, v4, vm0, $0xb8;
	[tilespmem:$0x10100] =	vst v63  }
0x78: {  	_ = 	snop  }
0x79: {  	[tilespmem:s16], [sflag:$0x1] =	stream.indirect_vreg.gather [hbm4b:s3+s2], $0x80, v3, vm0, $0xb8;
	[tilespmem:$0x10100] =	vst v63  }
0x7a: {  	v3 =	vld [tilespmem:$0x90];
	_ =	sdelay $0x4  }
0x7b: {  	v57 =	vshll.u32 v3, $0x1  }
0x7c: {  	v3 =	vand.u32 $0x7, v3;
	v4 =	vand.u32 $0xFFFFFFF0, v57  }
0x7d: {  	v3 =	vor.u32 v3, v4  }
0x7e: {  	v4 =	vperm.xlane v3, v0;
	_ =	sdelay $0x1  }
0x7f: {  	v3 =	vperm.xlane v3, v2;
	v4 =	vadd.s32 v1, v4;
	_ =	sdelay $0x1  }
0x80: {  	v3 =	vadd.s32 v1, v3;
	_ =	sdelay $0x2  }
0x81: {  	[tilespmem:s17], [sflag:$0x1] =	stream.indirect_vreg.gather [hbm4b:s3+s2], $0x80, v4, vm0, $0xb8;
	[tilespmem:$0x10100] =	vst v63  }
0x82: {  	_ = 	snop  }
0x83: {  	[tilespmem:s18], [sflag:$0x1] =	stream.indirect_vreg.gather [hbm4b:s3+s2], $0x80, v3, vm0, $0xb8;
	[tilespmem:$0x10100] =	vst v63  }
0x84: {  	v3 =	vld [tilespmem:$0xA0];
	_ =	sdelay $0x4  }
0x85: {  	v58 =	vshll.u32 v3, $0x1  }
0x86: {  	v3 =	vand.u32 $0x7, v3;
	v4 =	vand.u32 $0xFFFFFFF0, v58  }
0x87: {  	v3 =	vor.u32 v3, v4  }
0x88: {  	v4 =	vperm.xlane v3, v0;
	_ =	sdelay $0x1  }
0x89: {  	v3 =	vperm.xlane v3, v2;
	v4 =	vadd.s32 v1, v4;
	_ =	sdelay $0x1  }
0x8a: {  	v3 =	vadd.s32 v1, v3;
	_ =	sdelay $0x2  }
0x8b: {  	[tilespmem:s19], [sflag:$0x1] =	stream.indirect_vreg.gather [hbm4b:s3+s2], $0x80, v4, vm0, $0xb8;
	[tilespmem:$0x10100] =	vst v63  }
0x8c: {  	_ = 	snop  }
0x8d: {  	[tilespmem:s20], [sflag:$0x1] =	stream.indirect_vreg.gather [hbm4b:s3+s2], $0x80, v3, vm0, $0xb8;
	[tilespmem:$0x10100] =	vst v63  }
0x8e: {  	v3 =	vld [tilespmem:$0xB0];
	_ =	sdelay $0x4  }
0x8f: {  	v59 =	vshll.u32 v3, $0x1  }
0x90: {  	v3 =	vand.u32 $0x7, v3;
	v4 =	vand.u32 $0xFFFFFFF0, v59  }
0x91: {  	v3 =	vor.u32 v3, v4  }
0x92: {  	v4 =	vperm.xlane v3, v0;
	_ =	sdelay $0x1  }
0x93: {  	v3 =	vperm.xlane v3, v2;
	v4 =	vadd.s32 v1, v4;
	_ =	sdelay $0x1  }
0x94: {  	v3 =	vadd.s32 v1, v3;
	_ =	sdelay $0x2  }
0x95: {  	[tilespmem:s21], [sflag:$0x1] =	stream.indirect_vreg.gather [hbm4b:s3+s2], $0x80, v4, vm0, $0xb8;
	[tilespmem:$0x10100] =	vst v63  }
0x96: {  	_ = 	snop  }
0x97: {  	[tilespmem:s22], [sflag:$0x1] =	stream.indirect_vreg.gather [hbm4b:s3+s2], $0x80, v3, vm0, $0xb8;
	[tilespmem:$0x10100] =	vst v63  }
0x98: {  	v3 =	vld [tilespmem:$0xC0];
	_ =	sdelay $0x4  }
0x99: {  	v60 =	vshll.u32 v3, $0x1  }
0x9a: {  	v3 =	vand.u32 $0x7, v3;
	v4 =	vand.u32 $0xFFFFFFF0, v60  }
0x9b: {  	v3 =	vor.u32 v3, v4  }
0x9c: {  	v4 =	vperm.xlane v3, v0;
	_ =	sdelay $0x1  }
0x9d: {  	v3 =	vperm.xlane v3, v2;
	v4 =	vadd.s32 v1, v4;
	_ =	sdelay $0x1  }
0x9e: {  	v3 =	vadd.s32 v1, v3;
	_ =	sdelay $0x2  }
0x9f: {  	[tilespmem:s23], [sflag:$0x1] =	stream.indirect_vreg.gather [hbm4b:s3+s2], $0x80, v4, vm0, $0xb8;
	[tilespmem:$0x10100] =	vst v63  }
0xa0: {  	_ = 	snop  }
0xa1: {  	[tilespmem:s24], [sflag:$0x1] =	stream.indirect_vreg.gather [hbm4b:s3+s2], $0x80, v3, vm0, $0xb8;
	[tilespmem:$0x10100] =	vst v63  }
0xa2: {  	v3 =	vld [tilespmem:$0xD0];
	_ =	sdelay $0x4  }
0xa3: {  	v61 =	vshll.u32 v3, $0x1  }
0xa4: {  	v3 =	vand.u32 $0x7, v3;
	v4 =	vand.u32 $0xFFFFFFF0, v61  }
0xa5: {  	v3 =	vor.u32 v3, v4  }
0xa6: {  	v4 =	vperm.xlane v3, v0;
	_ =	sdelay $0x1  }
0xa7: {  	v3 =	vperm.xlane v3, v2;
	v4 =	vadd.s32 v1, v4;
	_ =	sdelay $0x1  }
0xa8: {  	v3 =	vadd.s32 v1, v3;
	_ =	sdelay $0x2  }
0xa9: {  	[tilespmem:s25], [sflag:$0x1] =	stream.indirect_vreg.gather [hbm4b:s3+s2], $0x80, v4, vm0, $0xb8;
	[tilespmem:$0x10100] =	vst v63  }
0xaa: {  	_ = 	snop  }
0xab: {  	[tilespmem:s26], [sflag:$0x1] =	stream.indirect_vreg.gather [hbm4b:s3+s2], $0x80, v3, vm0, $0xb8;
	[tilespmem:$0x10100] =	vst v63  }
0xac: {  	v3 =	vld [tilespmem:$0xE0];
	_ =	sdelay $0x4  }
0xad: {  	v62 =	vshll.u32 v3, $0x1  }
0xae: {  	v3 =	vand.u32 $0x7, v3;
	v4 =	vand.u32 $0xFFFFFFF0, v62  }
0xaf: {  	v3 =	vor.u32 v3, v4  }
0xb0: {  	v4 =	vperm.xlane v3, v0;
	_ =	sdelay $0x1  }
0xb1: {  	v3 =	vperm.xlane v3, v2;
	v4 =	vadd.s32 v1, v4;
	_ =	sdelay $0x1  }
0xb2: {  	v3 =	vadd.s32 v1, v3;
	_ =	sdelay $0x2  }
0xb3: {  	[tilespmem:s28], [sflag:$0x1] =	stream.indirect_vreg.gather [hbm4b:s3+s2], $0x80, v4, vm0, $0xb8;
	[tilespmem:$0x10100] =	vst v63  }
0xb4: {  	_ = 	snop  }
0xb5: {  	[tilespmem:s29], [sflag:$0x1] =	stream.indirect_vreg.gather [hbm4b:s3+s2], $0x80, v3, vm0, $0xb8;
	[tilespmem:$0x10100] =	vst v63  }
0xb6: {  	v3 =	vld [tilespmem:$0xF0];
	_ =	sdelay $0x4  }
0xb7: {  	v63 =	vshll.u32 v3, $0x1  }
0xb8: {  	v3 =	vand.u32 $0x7, v3;
	v4 =	vand.u32 $0xFFFFFFF0, v63  }
0xb9: {  	v3 =	vor.u32 v3, v4  }
0xba: {  	v4 =	vperm.xlane v3, v0;
	_ =	sdelay $0x1  }
0xbb: {  	v3 =	vperm.xlane v3, v2;
	v4 =	vadd.s32 v1, v4;
	_ =	sdelay $0x1  }
0xbc: {  	v3 =	vadd.s32 v1, v3;
	_ =	sdelay $0x2  }
0xbd: {  	[tilespmem:s30], [sflag:$0x1] =	stream.indirect_vreg.gather [hbm4b:s3+s2], $0x80, v4, vm0, $0xb8;
	[tilespmem:$0x10100] =	vst v63  }
0xbe: {  	_ = 	snop  }
0xbf: {  	[tilespmem:s31], [sflag:$0x1] =	stream.indirect_vreg.gather [hbm4b:s3+s2], $0x80, v3, vm0, $0xb8;
	[tilespmem:$0x10100] =	vst v63  }
0xc0: {  	_ =	swait.ge [sflag:s1], $0x10000  }
0xc1: {  	p0 =	sne.s32 s4, $0x1;
	[sflag:s1] =	ssyncset.done $0x0  }
.Ltmp0:
0xc2: {  	s7 =	rddreg [dreg:$0x4];
	[sflag:s1] =	ssyncadd.s32 $0xFFFF0000;
	(pc) =	sbr.rel @p0 .LBB2_1-.Ltmp0, $4  }
0xc3: {  	[hbm4b:s7+s2] =	stream.linear.scatter [tilespmem:s6], [sflag:$0x2], $0x10000, $0x38;
	[tilespmem:$0x10100] =	vst v63  }
0xc4: {  	_ =	swait.ge [sflag:s5], $0x10000  }
0xc5: {  	[sflag:s5] =	ssyncset.done $0x0  }
0xc6: {  	s4 =	sadd.s32 $0xFFFFFFFF, s4;
	[sflag:s5] =	ssyncadd.s32 $0xFFFF0000  }
0xc7: {  	_ =	sfence.sel $0x180000  }
0xc8: {  	[bflag:$0x0] =	sbarrier.arrive $0xFFFF  }
0xc9: {  	_ =	strace $0x90000047  }
0xca: {  	s0 =	stileid.u32;
	[bflag:$0x2] =	sbarrier.arrive $0xFFFF  }
0xcb: {  	p0 =	sne.s32 s0, $0x0;
	s0 =	rddreg [dreg:$0x2]  }
0xcc: {  	s0 =	sadd.s32 @!p0 $0x100000, s0  }
0xcd: {  	[sflag:s0] =	ssyncadd.tile.s32 @!p0 $0x1;
	_ =	shalt  }
.Lfunc_end2:
_tile_overlayer_lowered:
.L_overlay_start_2:
0xce: {  	(tag) =	ssettag $0x2  }
0xcf: {  	s0 =	rddreg [dreg:$0x0];
	s2 =	stileid.u32  }
0xd0: {  	s1 =	rddreg [dreg:$0x1];
	p0 =	sne.s32 s2, $0x0  }
0xd1: {  	s3 =	rddreg [dreg:$0x2];
	[bflag:$0x3] =	sbarrier.arrive $0xFFFF;
	s2 =	simm.s32 @!p0 $0x1C02  }
0xd2: {  	[timem:s3], [sflag:s2] =	dma.local @!p0 [hbm:s0], s1  }
0xd3: {  	s0 =	simm.s32 @!p0 $0x2  }
0xd4: {  	_ =	swait.ge @!p0 [sflag:s0], s1  }
0xd5: {  	s1 =	ssub.s32 @!p0 $0x0, s1;
	[sflag:s0] =	ssyncset.done @!p0 $0x0  }
0xd6: {  	[sflag:s0] =	ssyncadd.s32 @!p0 s1  }
0xd7: {  	[bflag:$0x3] =	sbarrier.arrive $0xFFFF  }
0xd8: {  	_ =	shalt  }

</sc_bundles>
